<compile_context>
chip_gen: v7x
topology: tpu7x:2x2x1
jax: 0.10.2.dev20260603
libtpu: 0.0.44.dev20260713+nightly
codegen_flags: <defaults>
</compile_context>

<pallas_src>
import functools

import jax
import jax.numpy as jnp
from jax import lax
from jax.experimental import pallas as pl
from jax.experimental.pallas import tpu as pltpu
from jax.experimental.pallas import tpu_sc as plsc

_VOCAB = 32128
_DIM = 4096
_B = 4
_S = 512
_N = _B * _S
_NC = 2
_NS = 16
_NW = _NC * _NS
_RPW = _N // _NW
_WPB = _S // _RPW
_R = 4
_NCHUNK = _RPW // _R
_NBUF = 7
_G = 5

_mesh = plsc.VectorSubcoreMesh(core_axis_name="c", subcore_axis_name="s")


@functools.partial(
    pl.kernel,
    out_type=jax.ShapeDtypeStruct((_B, _S, _DIM), jnp.float32),
    mesh=_mesh,
    scratch_types=[
        pltpu.VMEM((_NCHUNK, _R), jnp.int32),
        pltpu.VMEM((_NBUF, _R, _DIM), jnp.float32),
        [pltpu.SemaphoreType.DMA] * _NBUF,
        [pltpu.SemaphoreType.DMA] * _NBUF,
    ],
)
def _emb_lookup(table_hbm, idx_hbm, out_hbm, idx_v, rows_v, gsems, osems):
    wid = lax.axis_index("s") * _NC + lax.axis_index("c")
    b = wid // _WPB
    s0 = (wid % _WPB) * _RPW
    pltpu.sync_copy(idx_hbm.at[pl.ds(wid * _NCHUNK, _NCHUNK)], idx_v)

    def gather(c):
        return pltpu.async_copy(
            table_hbm.at[idx_v.at[c]],
            rows_v.at[c % _NBUF],
            gsems[c % _NBUF],
        )

    def put(c):
        return pltpu.async_copy(
            rows_v.at[c % _NBUF],
            out_hbm.at[b, pl.ds(s0 + c * _R, _R)],
            osems[c % _NBUF],
        )

    gd = [gather(c) for c in range(_G)] + [None] * (_NCHUNK - _G)
    od = [None] * _NCHUNK
    for c in range(_NCHUNK):
        gd[c].wait()
        od[c] = put(c)
        nxt = c + _G
        if nxt < _NCHUNK:
            if nxt - _NBUF >= 0:
                od[nxt - _NBUF].wait()
            gd[nxt] = gather(nxt)
    for c in range(max(0, _NCHUNK - _NBUF), _NCHUNK):
        od[c].wait()


def kernel(test_input, emb_table):
    idx = test_input.reshape(_NW * _NCHUNK, _R)
    return _emb_lookup(emb_table, idx)

# --- scband reference (transcript-rebuilt; emitter-appended) ---
"""Pipeline reference for scband-t5-head-36498632081682 (READ-ONLY COPY).

The authoritative reference and input builder live on the scoring server;
editing this copy changes nothing except your own understanding.
"""

import jax, jax.numpy as jnp
import numpy as np

VOCAB = 32128
DIM = 4096
B = 4
S = 512

def setup_inputs(seed: int = 0) -> dict:
    key = jax.random.key(seed)
    k_idx, k_tab = jax.random.split(key)
    test_input = jax.random.randint(k_idx, (B, S), 0, VOCAB, dtype=jnp.int64 if jax.config.jax_enable_x64 else jnp.int32).astype(jnp.int32)
    emb_table = jax.random.normal(k_tab, (VOCAB, DIM), dtype=jnp.float32) * 0.02
    return {"test_input": test_input, "emb_table": emb_table}

def reference(test_input, emb_table):
    # T5Head.forward: nn.Embedding lookup -> table[indices]
    return jnp.take(emb_table, test_input, axis=0)

if __name__ == "__main__":
    import jax
    _d = setup_inputs()
    print(jax.jit(kernel)(*tuple(_d.values())))

</pallas_src>

<mosaic_0001>
#map = affine_map<(d0, d1) -> (0, 0)>
#map1 = affine_map<(d0, d1) -> (0, 0, 0)>
module attributes {stable_mosaic.version = 14 : i64} {
  func.func @_emb_lookup(%arg0: i32, %arg1: i32, %arg2: memref<32128x4096xf32, #tpu.memory_space<hbm>>, %arg3: memref<512x4xi32, #tpu.memory_space<hbm>>, %arg4: memref<4x512x4096xf32, #tpu.memory_space<hbm>>, %arg5: memref<16x4xi32, #tpu.memory_space<vmem>>, %arg6: memref<7x4x4096xf32, #tpu.memory_space<vmem>>, %arg7: memref<!tpu.dma_semaphore, #tpu.memory_space<semaphore_mem>>, %arg8: memref<!tpu.dma_semaphore, #tpu.memory_space<semaphore_mem>>, %arg9: memref<!tpu.dma_semaphore, #tpu.memory_space<semaphore_mem>>, %arg10: memref<!tpu.dma_semaphore, #tpu.memory_space<semaphore_mem>>, %arg11: memref<!tpu.dma_semaphore, #tpu.memory_space<semaphore_mem>>, %arg12: memref<!tpu.dma_semaphore, #tpu.memory_space<semaphore_mem>>, %arg13: memref<!tpu.dma_semaphore, #tpu.memory_space<semaphore_mem>>, %arg14: memref<!tpu.dma_semaphore, #tpu.memory_space<semaphore_mem>>, %arg15: memref<!tpu.dma_semaphore, #tpu.memory_space<semaphore_mem>>, %arg16: memref<!tpu.dma_semaphore, #tpu.memory_space<semaphore_mem>>, %arg17: memref<!tpu.dma_semaphore, #tpu.memory_space<semaphore_mem>>, %arg18: memref<!tpu.dma_semaphore, #tpu.memory_space<semaphore_mem>>, %arg19: memref<!tpu.dma_semaphore, #tpu.memory_space<semaphore_mem>>, %arg20: memref<!tpu.dma_semaphore, #tpu.memory_space<semaphore_mem>>) attributes {dimension_semantics = [#tpu.dimension_semantics<core_parallel>, #tpu.dimension_semantics<subcore_parallel>], iteration_bounds = array<i64: 2, 16>, scalar_prefetch = 0 : i64, scratch_operands = 16 : i64, tpu.core_type = #tpu.core_type<sc_vector_subcore>, window_params = [{transform_indices = #map}, {transform_indices = #map}, {transform_indices = #map1}]} {
    %mul3A = arith.constant 2 : i32
    %mul3A_0 = arith.muli %arg1, %mul3A : i32
    %add3A = arith.addi %mul3A_0, %arg0 : i32
    %jit3A = arith.constant 8 : i32
    %div3A = arith.divsi %add3A, %jit3A : i32
    %sign3A = arith.constant 0 : i32
    %sign3A_1 = arith.cmpi sgt, %add3A, %sign3A : i32
    %sign3A_2 = arith.extui %sign3A_1 : i1 to i32
    %sign3A_3 = arith.constant 0 : i32
    %sign3A_4 = arith.cmpi slt, %add3A, %sign3A_3 : i32
    %sign3A_5 = arith.extui %sign3A_4 : i1 to i32
    %sign3A_6 = arith.subi %sign3A_2, %sign3A_5 : i32
    %sign3A_7 = arith.constant 0 : i32
    %sign3A_8 = arith.cmpi sgt, %jit3A, %sign3A_7 : i32
    %sign3A_9 = arith.extui %sign3A_8 : i1 to i32
    %sign3A_10 = arith.constant 0 : i32
    %sign3A_11 = arith.cmpi slt, %jit3A, %sign3A_10 : i32
    %sign3A_12 = arith.extui %sign3A_11 : i1 to i32
    %sign3A_13 = arith.subi %sign3A_9, %sign3A_12 : i32
    %ne3A = arith.cmpi ne, %sign3A_6, %sign3A_13 : i32
    %rem3A = arith.remsi %add3A, %jit3A : i32
    %ne3A_14 = arith.constant 0 : i32
    %ne3A_15 = arith.cmpi ne, %rem3A, %ne3A_14 : i32
    %and3A = arith.andi %ne3A, %ne3A_15 : i1
    %sub3A = arith.constant 1 : i32
    %sub3A_16 = arith.subi %div3A, %sub3A : i32
    %select_n3A = arith.select %and3A, %sub3A_16, %div3A : i32
    %jit3A_17 = arith.constant 8 : i32
    %eq3A = arith.constant 0 : i32
    %eq3A_18 = arith.cmpi eq, %jit3A_17, %eq3A : i32
    %jit3A_19 = arith.constant 1 : i32
    %select_n3A_20 = arith.select %eq3A_18, %jit3A_19, %jit3A_17 : i32
    %rem3A_21 = arith.remsi %add3A, %select_n3A_20 : i32
    %ne3A_22 = arith.constant 0 : i32
    %ne3A_23 = arith.cmpi ne, %rem3A_21, %ne3A_22 : i32
    %lt3A = arith.constant 0 : i32
    %lt3A_24 = arith.cmpi slt, %rem3A_21, %lt3A : i32
    %lt3A_25 = arith.constant 0 : i32
    %lt3A_26 = arith.cmpi slt, %select_n3A_20, %lt3A_25 : i32
    %ne3A_27 = arith.xori %lt3A_24, %lt3A_26 : i1
    %and3A_28 = arith.andi %ne3A_27, %ne3A_23 : i1
    %add3A_29 = arith.addi %rem3A_21, %select_n3A_20 : i32
    %select_n3A_30 = arith.select %and3A_28, %add3A_29, %rem3A_21 : i32
    %mul3A_31 = arith.constant 64 : i32
    %mul3A_32 = arith.muli %select_n3A_30, %mul3A_31 : i32
    %mul3A_33 = arith.constant 16 : i32
    %mul3A_34 = arith.muli %add3A, %mul3A_33 : i32
    "tpu.region"() ({
      %run_scoped3A = tpu.sem_alloc : memref<!tpu.dma_semaphore, #tpu.memory_space<semaphore_mem>>
      %dma_start3A_929 = arith.constant 0 : i32
      %dma_start3A_930 = tpu.memref_slice %arg3[%mul3A_34, %dma_start3A_929] : memref<512x4xi32, #tpu.memory_space<hbm>> -> memref<16x4xi32, #tpu.memory_space<hbm>>
      %dma_start3A_931 = arith.constant 0 : i32
      %dma_start3A_932 = tpu.memref_slice %arg3[%mul3A_34, %dma_start3A_931] : memref<512x4xi32, #tpu.memory_space<hbm>> -> memref<16x4xi32, #tpu.memory_space<hbm>>
      tpu.enqueue_dma source(%dma_start3A_932 : memref<16x4xi32, #tpu.memory_space<hbm>>) target(%arg5 : memref<16x4xi32, #tpu.memory_space<vmem>>) target_semaphore(%run_scoped3A : memref<!tpu.dma_semaphore, #tpu.memory_space<semaphore_mem>>)
      %dma_wait3A_933 = arith.constant 0 : i32
      %dma_wait3A_934 = tpu.memref_slice %arg3[%mul3A_34, %dma_wait3A_933] : memref<512x4xi32, #tpu.memory_space<hbm>> -> memref<16x4xi32, #tpu.memory_space<hbm>>
      %dma_wait3A_935 = arith.constant 0 : i32
      %dma_wait3A_936 = tpu.memref_slice %arg3[%mul3A_34, %dma_wait3A_935] : memref<512x4xi32, #tpu.memory_space<hbm>> -> memref<16x4xi32, #tpu.memory_space<hbm>>
      tpu.wait_dma2 semaphore(%run_scoped3A : memref<!tpu.dma_semaphore, #tpu.memory_space<semaphore_mem>>) src(%dma_wait3A_936 : memref<16x4xi32, #tpu.memory_space<hbm>>) dst(%arg5 : memref<16x4xi32, #tpu.memory_space<vmem>>)
      tpu.yield
    }) : () -> ()
    %dma_start3A = arith.constant 0 : i32
    %dma_start3A_35 = arith.constant 0 : i32
    %dma_start3A_36 = arith.constant 0 : i32
    %dma_start3A_37 = arith.constant 0 : i32
    %dma_start3A_38 = tpu.memref_slice %arg6[%dma_start3A_35, %dma_start3A_36, %dma_start3A_37] : memref<7x4x4096xf32, #tpu.memory_space<vmem>> -> memref<1x4x4096xf32, #tpu.memory_space<vmem>>
    %dma_start3A_39 = tpu.memref_squeeze %dma_start3A_38 : memref<1x4x4096xf32, #tpu.memory_space<vmem>> -> memref<4x4096xf32, #tpu.memory_space<vmem>>
    %dma_start3A_40 = arith.constant 0 : i32
    %dma_start3A_41 = tpu.memref_slice %arg5[%dma_start3A, %dma_start3A_40] : memref<16x4xi32, #tpu.memory_space<vmem>> -> memref<1x4xi32, #tpu.memory_space<vmem>>
    %dma_start3A_42 = tpu.memref_squeeze %dma_start3A_41 : memref<1x4xi32, #tpu.memory_space<vmem>> -> memref<4xi32, #tpu.memory_space<vmem>>
    %dma_start3A_43 = arith.constant 0 : i32
    %dma_start3A_44 = arith.constant 0 : i32
    %dma_start3A_45 = tpu.memref_slice %arg2[%dma_start3A_43, %dma_start3A_44] : memref<32128x4096xf32, #tpu.memory_space<hbm>> -> memref<32128x4096xf32, #tpu.memory_space<hbm>>
    tpu.enqueue_indirect_dma source(%dma_start3A_45 : memref<32128x4096xf32, #tpu.memory_space<hbm>>) target(%dma_start3A_39 : memref<4x4096xf32, #tpu.memory_space<vmem>>) offsets(%dma_start3A_42 : memref<4xi32, #tpu.memory_space<vmem>>) semaphore(%arg7 : memref<!tpu.dma_semaphore, #tpu.memory_space<semaphore_mem>>)
    %dma_start3A_46 = arith.constant 1 : i32
    %dma_start3A_47 = arith.constant 1 : i32
    %dma_start3A_48 = arith.constant 0 : i32
    %dma_start3A_49 = arith.constant 0 : i32
    %dma_start3A_50 = tpu.memref_slice %arg6[%dma_start3A_47, %dma_start3A_48, %dma_start3A_49] : memref<7x4x4096xf32, #tpu.memory_space<vmem>> -> memref<1x4x4096xf32, #tpu.memory_space<vmem>>
    %dma_start3A_51 = tpu.memref_squeeze %dma_start3A_50 : memref<1x4x4096xf32, #tpu.memory_space<vmem>> -> memref<4x4096xf32, #tpu.memory_space<vmem>>
    %dma_start3A_52 = arith.constant 0 : i32
    %dma_start3A_53 = tpu.memref_slice %arg5[%dma_start3A_46, %dma_start3A_52] : memref<16x4xi32, #tpu.memory_space<vmem>> -> memref<1x4xi32, #tpu.memory_space<vmem>>
    %dma_start3A_54 = tpu.memref_squeeze %dma_start3A_53 : memref<1x4xi32, #tpu.memory_space<vmem>> -> memref<4xi32, #tpu.memory_space<vmem>>
    %dma_start3A_55 = arith.constant 0 : i32
    %dma_start3A_56 = arith.constant 0 : i32
    %dma_start3A_57 = tpu.memref_slice %arg2[%dma_start3A_55, %dma_start3A_56] : memref<32128x4096xf32, #tpu.memory_space<hbm>> -> memref<32128x4096xf32, #tpu.memory_space<hbm>>
    tpu.enqueue_indirect_dma source(%dma_start3A_57 : memref<32128x4096xf32, #tpu.memory_space<hbm>>) target(%dma_start3A_51 : memref<4x4096xf32, #tpu.memory_space<vmem>>) offsets(%dma_start3A_54 : memref<4xi32, #tpu.memory_space<vmem>>) semaphore(%arg8 : memref<!tpu.dma_semaphore, #tpu.memory_space<semaphore_mem>>)
    %dma_start3A_58 = arith.constant 2 : i32
    %dma_start3A_59 = arith.constant 2 : i32
    %dma_start3A_60 = arith.constant 0 : i32
    %dma_start3A_61 = arith.constant 0 : i32
    %dma_start3A_62 = tpu.memref_slice %arg6[%dma_start3A_59, %dma_start3A_60, %dma_start3A_61] : memref<7x4x4096xf32, #tpu.memory_space<vmem>> -> memref<1x4x4096xf32, #tpu.memory_space<vmem>>
    %dma_start3A_63 = tpu.memref_squeeze %dma_start3A_62 : memref<1x4x4096xf32, #tpu.memory_space<vmem>> -> memref<4x4096xf32, #tpu.memory_space<vmem>>
    %dma_start3A_64 = arith.constant 0 : i32
    %dma_start3A_65 = tpu.memref_slice %arg5[%dma_start3A_58, %dma_start3A_64] : memref<16x4xi32, #tpu.memory_space<vmem>> -> memref<1x4xi32, #tpu.memory_space<vmem>>
    %dma_start3A_66 = tpu.memref_squeeze %dma_start3A_65 : memref<1x4xi32, #tpu.memory_space<vmem>> -> memref<4xi32, #tpu.memory_space<vmem>>
    %dma_start3A_67 = arith.constant 0 : i32
    %dma_start3A_68 = arith.constant 0 : i32
    %dma_start3A_69 = tpu.memref_slice %arg2[%dma_start3A_67, %dma_start3A_68] : memref<32128x4096xf32, #tpu.memory_space<hbm>> -> memref<32128x4096xf32, #tpu.memory_space<hbm>>
    tpu.enqueue_indirect_dma source(%dma_start3A_69 : memref<32128x4096xf32, #tpu.memory_space<hbm>>) target(%dma_start3A_63 : memref<4x4096xf32, #tpu.memory_space<vmem>>) offsets(%dma_start3A_66 : memref<4xi32, #tpu.memory_space<vmem>>) semaphore(%arg9 : memref<!tpu.dma_semaphore, #tpu.memory_space<semaphore_mem>>)
    %dma_start3A_70 = arith.constant 3 : i32
    %dma_start3A_71 = arith.constant 3 : i32
    %dma_start3A_72 = arith.constant 0 : i32
    %dma_start3A_73 = arith.constant 0 : i32
    %dma_start3A_74 = tpu.memref_slice %arg6[%dma_start3A_71, %dma_start3A_72, %dma_start3A_73] : memref<7x4x4096xf32, #tpu.memory_space<vmem>> -> memref<1x4x4096xf32, #tpu.memory_space<vmem>>
    %dma_start3A_75 = tpu.memref_squeeze %dma_start3A_74 : memref<1x4x4096xf32, #tpu.memory_space<vmem>> -> memref<4x4096xf32, #tpu.memory_space<vmem>>
    %dma_start3A_76 = arith.constant 0 : i32
    %dma_start3A_77 = tpu.memref_slice %arg5[%dma_start3A_70, %dma_start3A_76] : memref<16x4xi32, #tpu.memory_space<vmem>> -> memref<1x4xi32, #tpu.memory_space<vmem>>
    %dma_start3A_78 = tpu.memref_squeeze %dma_start3A_77 : memref<1x4xi32, #tpu.memory_space<vmem>> -> memref<4xi32, #tpu.memory_space<vmem>>
    %dma_start3A_79 = arith.constant 0 : i32
    %dma_start3A_80 = arith.constant 0 : i32
    %dma_start3A_81 = tpu.memref_slice %arg2[%dma_start3A_79, %dma_start3A_80] : memref<32128x4096xf32, #tpu.memory_space<hbm>> -> memref<32128x4096xf32, #tpu.memory_space<hbm>>
    tpu.enqueue_indirect_dma source(%dma_start3A_81 : memref<32128x4096xf32, #tpu.memory_space<hbm>>) target(%dma_start3A_75 : memref<4x4096xf32, #tpu.memory_space<vmem>>) offsets(%dma_start3A_78 : memref<4xi32, #tpu.memory_space<vmem>>) semaphore(%arg10 : memref<!tpu.dma_semaphore, #tpu.memory_space<semaphore_mem>>)
    %dma_start3A_82 = arith.constant 4 : i32
    %dma_start3A_83 = arith.constant 4 : i32
    %dma_start3A_84 = arith.constant 0 : i32
    %dma_start3A_85 = arith.constant 0 : i32
    %dma_start3A_86 = tpu.memref_slice %arg6[%dma_start3A_83, %dma_start3A_84, %dma_start3A_85] : memref<7x4x4096xf32, #tpu.memory_space<vmem>> -> memref<1x4x4096xf32, #tpu.memory_space<vmem>>
    %dma_start3A_87 = tpu.memref_squeeze %dma_start3A_86 : memref<1x4x4096xf32, #tpu.memory_space<vmem>> -> memref<4x4096xf32, #tpu.memory_space<vmem>>
    %dma_start3A_88 = arith.constant 0 : i32
    %dma_start3A_89 = tpu.memref_slice %arg5[%dma_start3A_82, %dma_start3A_88] : memref<16x4xi32, #tpu.memory_space<vmem>> -> memref<1x4xi32, #tpu.memory_space<vmem>>
    %dma_start3A_90 = tpu.memref_squeeze %dma_start3A_89 : memref<1x4xi32, #tpu.memory_space<vmem>> -> memref<4xi32, #tpu.memory_space<vmem>>
    %dma_start3A_91 = arith.constant 0 : i32
    %dma_start3A_92 = arith.constant 0 : i32
    %dma_start3A_93 = tpu.memref_slice %arg2[%dma_start3A_91, %dma_start3A_92] : memref<32128x4096xf32, #tpu.memory_space<hbm>> -> memref<32128x4096xf32, #tpu.memory_space<hbm>>
    tpu.enqueue_indirect_dma source(%dma_start3A_93 : memref<32128x4096xf32, #tpu.memory_space<hbm>>) target(%dma_start3A_87 : memref<4x4096xf32, #tpu.memory_space<vmem>>) offsets(%dma_start3A_90 : memref<4xi32, #tpu.memory_space<vmem>>) semaphore(%arg11 : memref<!tpu.dma_semaphore, #tpu.memory_space<semaphore_mem>>)
    %dma_wait3A = arith.constant 0 : i32
    %dma_wait3A_94 = arith.constant 0 : i32
    %dma_wait3A_95 = arith.constant 0 : i32
    %dma_wait3A_96 = arith.constant 0 : i32
    %dma_wait3A_97 = tpu.memref_slice %arg6[%dma_wait3A_94, %dma_wait3A_95, %dma_wait3A_96] : memref<7x4x4096xf32, #tpu.memory_space<vmem>> -> memref<1x4x4096xf32, #tpu.memory_space<vmem>>
    %dma_wait3A_98 = tpu.memref_squeeze %dma_wait3A_97 : memref<1x4x4096xf32, #tpu.memory_space<vmem>> -> memref<4x4096xf32, #tpu.memory_space<vmem>>
    %dma_wait3A_99 = arith.constant 0 : i32
    %dma_wait3A_100 = tpu.memref_slice %arg5[%dma_wait3A, %dma_wait3A_99] : memref<16x4xi32, #tpu.memory_space<vmem>> -> memref<1x4xi32, #tpu.memory_space<vmem>>
    %dma_wait3A_101 = tpu.memref_squeeze %dma_wait3A_100 : memref<1x4xi32, #tpu.memory_space<vmem>> -> memref<4xi32, #tpu.memory_space<vmem>>
    %dma_wait3A_102 = arith.constant 0 : i32
    %dma_wait3A_103 = arith.constant 0 : i32
    %dma_wait3A_104 = tpu.memref_slice %arg2[%dma_wait3A_102, %dma_wait3A_103] : memref<32128x4096xf32, #tpu.memory_space<hbm>> -> memref<32128x4096xf32, #tpu.memory_space<hbm>>
    tpu.wait_indirect_dma semaphore(%arg7 : memref<!tpu.dma_semaphore, #tpu.memory_space<semaphore_mem>>) src(%dma_wait3A_104 : memref<32128x4096xf32, #tpu.memory_space<hbm>>) dst(%dma_wait3A_98 : memref<4x4096xf32, #tpu.memory_space<vmem>>)
    %add3A_105 = arith.constant 0 : i32
    %add3A_106 = arith.addi %mul3A_32, %add3A_105 : i32
    %dma_start3A_107 = arith.constant 0 : i32
    %dma_start3A_108 = arith.constant 0 : i32
    %dma_start3A_109 = arith.constant 0 : i32
    %dma_start3A_110 = tpu.memref_slice %arg6[%dma_start3A_107, %dma_start3A_108, %dma_start3A_109] : memref<7x4x4096xf32, #tpu.memory_space<vmem>> -> memref<1x4x4096xf32, #tpu.memory_space<vmem>>
    %dma_start3A_111 = tpu.memref_squeeze %dma_start3A_110 : memref<1x4x4096xf32, #tpu.memory_space<vmem>> -> memref<4x4096xf32, #tpu.memory_space<vmem>>
    %dma_start3A_112 = arith.constant 0 : i32
    %dma_start3A_113 = tpu.memref_slice %arg4[%select_n3A, %add3A_106, %dma_start3A_112] : memref<4x512x4096xf32, #tpu.memory_space<hbm>> -> memref<1x4x4096xf32, #tpu.memory_space<hbm>>
    %dma_start3A_114 = tpu.memref_squeeze %dma_start3A_113 : memref<1x4x4096xf32, #tpu.memory_space<hbm>> -> memref<4x4096xf32, #tpu.memory_space<hbm>>
    %dma_start3A_115 = arith.constant 0 : i32
    %dma_start3A_116 = tpu.memref_slice %arg4[%select_n3A, %add3A_106, %dma_start3A_115] : memref<4x512x4096xf32, #tpu.memory_space<hbm>> -> memref<1x4x4096xf32, #tpu.memory_space<hbm>>
    %dma_start3A_117 = tpu.memref_squeeze %dma_start3A_116 : memref<1x4x4096xf32, #tpu.memory_space<hbm>> -> memref<4x4096xf32, #tpu.memory_space<hbm>>
    %dma_start3A_118 = arith.constant 0 : i32
    %dma_start3A_119 = arith.constant 0 : i32
    %dma_start3A_120 = tpu.memref_slice %arg6[%dma_start3A_107, %dma_start3A_118, %dma_start3A_119] : memref<7x4x4096xf32, #tpu.memory_space<vmem>> -> memref<1x4x4096xf32, #tpu.memory_space<vmem>>
    %dma_start3A_121 = tpu.memref_squeeze %dma_start3A_120 : memref<1x4x4096xf32, #tpu.memory_space<vmem>> -> memref<4x4096xf32, #tpu.memory_space<vmem>>
    tpu.enqueue_dma source(%dma_start3A_121 : memref<4x4096xf32, #tpu.memory_space<vmem>>) target(%dma_start3A_117 : memref<4x4096xf32, #tpu.memory_space<hbm>>) target_semaphore(%arg14 : memref<!tpu.dma_semaphore, #tpu.memory_space<semaphore_mem>>)
    %dma_start3A_122 = arith.constant 5 : i32
    %dma_start3A_123 = arith.constant 5 : i32
    %dma_start3A_124 = arith.constant 0 : i32
    %dma_start3A_125 = arith.constant 0 : i32
    %dma_start3A_126 = tpu.memref_slice %arg6[%dma_start3A_123, %dma_start3A_124, %dma_start3A_125] : memref<7x4x4096xf32, #tpu.memory_space<vmem>> -> memref<1x4x4096xf32, #tpu.memory_space<vmem>>
    %dma_start3A_127 = tpu.memref_squeeze %dma_start3A_126 : memref<1x4x4096xf32, #tpu.memory_space<vmem>> -> memref<4x4096xf32, #tpu.memory_space<vmem>>
    %dma_start3A_128 = arith.constant 0 : i32
    %dma_start3A_129 = tpu.memref_slice %arg5[%dma_start3A_122, %dma_start3A_128] : memref<16x4xi32, #tpu.memory_space<vmem>> -> memref<1x4xi32, #tpu.memory_space<vmem>>
    %dma_start3A_130 = tpu.memref_squeeze %dma_start3A_129 : memref<1x4xi32, #tpu.memory_space<vmem>> -> memref<4xi32, #tpu.memory_space<vmem>>
    %dma_start3A_131 = arith.constant 0 : i32
    %dma_start3A_132 = arith.constant 0 : i32
    %dma_start3A_133 = tpu.memref_slice %arg2[%dma_start3A_131, %dma_start3A_132] : memref<32128x4096xf32, #tpu.memory_space<hbm>> -> memref<32128x4096xf32, #tpu.memory_space<hbm>>
    tpu.enqueue_indirect_dma source(%dma_start3A_133 : memref<32128x4096xf32, #tpu.memory_space<hbm>>) target(%dma_start3A_127 : memref<4x4096xf32, #tpu.memory_space<vmem>>) offsets(%dma_start3A_130 : memref<4xi32, #tpu.memory_space<vmem>>) semaphore(%arg12 : memref<!tpu.dma_semaphore, #tpu.memory_space<semaphore_mem>>)
    %dma_wait3A_134 = arith.constant 1 : i32
    %dma_wait3A_135 = arith.constant 1 : i32
    %dma_wait3A_136 = arith.constant 0 : i32
    %dma_wait3A_137 = arith.constant 0 : i32
    %dma_wait3A_138 = tpu.memref_slice %arg6[%dma_wait3A_135, %dma_wait3A_136, %dma_wait3A_137] : memref<7x4x4096xf32, #tpu.memory_space<vmem>> -> memref<1x4x4096xf32, #tpu.memory_space<vmem>>
    %dma_wait3A_139 = tpu.memref_squeeze %dma_wait3A_138 : memref<1x4x4096xf32, #tpu.memory_space<vmem>> -> memref<4x4096xf32, #tpu.memory_space<vmem>>
    %dma_wait3A_140 = arith.constant 0 : i32
    %dma_wait3A_141 = tpu.memref_slice %arg5[%dma_wait3A_134, %dma_wait3A_140] : memref<16x4xi32, #tpu.memory_space<vmem>> -> memref<1x4xi32, #tpu.memory_space<vmem>>
    %dma_wait3A_142 = tpu.memref_squeeze %dma_wait3A_141 : memref<1x4xi32, #tpu.memory_space<vmem>> -> memref<4xi32, #tpu.memory_space<vmem>>
    %dma_wait3A_143 = arith.constant 0 : i32
    %dma_wait3A_144 = arith.constant 0 : i32
    %dma_wait3A_145 = tpu.memref_slice %arg2[%dma_wait3A_143, %dma_wait3A_144] : memref<32128x4096xf32, #tpu.memory_space<hbm>> -> memref<32128x4096xf32, #tpu.memory_space<hbm>>
    tpu.wait_indirect_dma semaphore(%arg8 : memref<!tpu.dma_semaphore, #tpu.memory_space<semaphore_mem>>) src(%dma_wait3A_145 : memref<32128x4096xf32, #tpu.memory_space<hbm>>) dst(%dma_wait3A_139 : memref<4x4096xf32, #tpu.memory_space<vmem>>)
    %add3A_146 = arith.constant 4 : i32
    %add3A_147 = arith.addi %mul3A_32, %add3A_146 : i32
    %dma_start3A_148 = arith.constant 1 : i32
    %dma_start3A_149 = arith.constant 0 : i32
    %dma_start3A_150 = arith.constant 0 : i32
    %dma_start3A_151 = tpu.memref_slice %arg6[%dma_start3A_148, %dma_start3A_149, %dma_start3A_150] : memref<7x4x4096xf32, #tpu.memory_space<vmem>> -> memref<1x4x4096xf32, #tpu.memory_space<vmem>>
    %dma_start3A_152 = tpu.memref_squeeze %dma_start3A_151 : memref<1x4x4096xf32, #tpu.memory_space<vmem>> -> memref<4x4096xf32, #tpu.memory_space<vmem>>
    %dma_start3A_153 = arith.constant 0 : i32
    %dma_start3A_154 = tpu.memref_slice %arg4[%select_n3A, %add3A_147, %dma_start3A_153] : memref<4x512x4096xf32, #tpu.memory_space<hbm>> -> memref<1x4x4096xf32, #tpu.memory_space<hbm>>
    %dma_start3A_155 = tpu.memref_squeeze %dma_start3A_154 : memref<1x4x4096xf32, #tpu.memory_space<hbm>> -> memref<4x4096xf32, #tpu.memory_space<hbm>>
    %dma_start3A_156 = arith.constant 0 : i32
    %dma_start3A_157 = tpu.memref_slice %arg4[%select_n3A, %add3A_147, %dma_start3A_156] : memref<4x512x4096xf32, #tpu.memory_space<hbm>> -> memref<1x4x4096xf32, #tpu.memory_space<hbm>>
    %dma_start3A_158 = tpu.memref_squeeze %dma_start3A_157 : memref<1x4x4096xf32, #tpu.memory_space<hbm>> -> memref<4x4096xf32, #tpu.memory_space<hbm>>
    %dma_start3A_159 = arith.constant 0 : i32
    %dma_start3A_160 = arith.constant 0 : i32
    %dma_start3A_161 = tpu.memref_slice %arg6[%dma_start3A_148, %dma_start3A_159, %dma_start3A_160] : memref<7x4x4096xf32, #tpu.memory_space<vmem>> -> memref<1x4x4096xf32, #tpu.memory_space<vmem>>
    %dma_start3A_162 = tpu.memref_squeeze %dma_start3A_161 : memref<1x4x4096xf32, #tpu.memory_space<vmem>> -> memref<4x4096xf32, #tpu.memory_space<vmem>>
    tpu.enqueue_dma source(%dma_start3A_162 : memref<4x4096xf32, #tpu.memory_space<vmem>>) target(%dma_start3A_158 : memref<4x4096xf32, #tpu.memory_space<hbm>>) target_semaphore(%arg15 : memref<!tpu.dma_semaphore, #tpu.memory_space<semaphore_mem>>)
    %dma_start3A_163 = arith.constant 6 : i32
    %dma_start3A_164 = arith.constant 6 : i32
    %dma_start3A_165 = arith.constant 0 : i32
    %dma_start3A_166 = arith.constant 0 : i32
    %dma_start3A_167 = tpu.memref_slice %arg6[%dma_start3A_164, %dma_start3A_165, %dma_start3A_166] : memref<7x4x4096xf32, #tpu.memory_space<vmem>> -> memref<1x4x4096xf32, #tpu.memory_space<vmem>>
    %dma_start3A_168 = tpu.memref_squeeze %dma_start3A_167 : memref<1x4x4096xf32, #tpu.memory_space<vmem>> -> memref<4x4096xf32, #tpu.memory_space<vmem>>
    %dma_start3A_169 = arith.constant 0 : i32
    %dma_start3A_170 = tpu.memref_slice %arg5[%dma_start3A_163, %dma_start3A_169] : memref<16x4xi32, #tpu.memory_space<vmem>> -> memref<1x4xi32, #tpu.memory_space<vmem>>
    %dma_start3A_171 = tpu.memref_squeeze %dma_start3A_170 : memref<1x4xi32, #tpu.memory_space<vmem>> -> memref<4xi32, #tpu.memory_space<vmem>>
    %dma_start3A_172 = arith.constant 0 : i32
    %dma_start3A_173 = arith.constant 0 : i32
    %dma_start3A_174 = tpu.memref_slice %arg2[%dma_start3A_172, %dma_start3A_173] : memref<32128x4096xf32, #tpu.memory_space<hbm>> -> memref<32128x4096xf32, #tpu.memory_space<hbm>>
    tpu.enqueue_indirect_dma source(%dma_start3A_174 : memref<32128x4096xf32, #tpu.memory_space<hbm>>) target(%dma_start3A_168 : memref<4x4096xf32, #tpu.memory_space<vmem>>) offsets(%dma_start3A_171 : memref<4xi32, #tpu.memory_space<vmem>>) semaphore(%arg13 : memref<!tpu.dma_semaphore, #tpu.memory_space<semaphore_mem>>)
    %dma_wait3A_175 = arith.constant 2 : i32
    %dma_wait3A_176 = arith.constant 2 : i32
    %dma_wait3A_177 = arith.constant 0 : i32
    %dma_wait3A_178 = arith.constant 0 : i32
    %dma_wait3A_179 = tpu.memref_slice %arg6[%dma_wait3A_176, %dma_wait3A_177, %dma_wait3A_178] : memref<7x4x4096xf32, #tpu.memory_space<vmem>> -> memref<1x4x4096xf32, #tpu.memory_space<vmem>>
    %dma_wait3A_180 = tpu.memref_squeeze %dma_wait3A_179 : memref<1x4x4096xf32, #tpu.memory_space<vmem>> -> memref<4x4096xf32, #tpu.memory_space<vmem>>
    %dma_wait3A_181 = arith.constant 0 : i32
    %dma_wait3A_182 = tpu.memref_slice %arg5[%dma_wait3A_175, %dma_wait3A_181] : memref<16x4xi32, #tpu.memory_space<vmem>> -> memref<1x4xi32, #tpu.memory_space<vmem>>
    %dma_wait3A_183 = tpu.memref_squeeze %dma_wait3A_182 : memref<1x4xi32, #tpu.memory_space<vmem>> -> memref<4xi32, #tpu.memory_space<vmem>>
    %dma_wait3A_184 = arith.constant 0 : i32
    %dma_wait3A_185 = arith.constant 0 : i32
    %dma_wait3A_186 = tpu.memref_slice %arg2[%dma_wait3A_184, %dma_wait3A_185] : memref<32128x4096xf32, #tpu.memory_space<hbm>> -> memref<32128x4096xf32, #tpu.memory_space<hbm>>
    tpu.wait_indirect_dma semaphore(%arg9 : memref<!tpu.dma_semaphore, #tpu.memory_space<semaphore_mem>>) src(%dma_wait3A_186 : memref<32128x4096xf32, #tpu.memory_space<hbm>>) dst(%dma_wait3A_180 : memref<4x4096xf32, #tpu.memory_space<vmem>>)
    %add3A_187 = arith.constant 8 : i32
    %add3A_188 = arith.addi %mul3A_32, %add3A_187 : i32
    %dma_start3A_189 = arith.constant 2 : i32
    %dma_start3A_190 = arith.constant 0 : i32
    %dma_start3A_191 = arith.constant 0 : i32
    %dma_start3A_192 = tpu.memref_slice %arg6[%dma_start3A_189, %dma_start3A_190, %dma_start3A_191] : memref<7x4x4096xf32, #tpu.memory_space<vmem>> -> memref<1x4x4096xf32, #tpu.memory_space<vmem>>
    %dma_start3A_193 = tpu.memref_squeeze %dma_start3A_192 : memref<1x4x4096xf32, #tpu.memory_space<vmem>> -> memref<4x4096xf32, #tpu.memory_space<vmem>>
    %dma_start3A_194 = arith.constant 0 : i32
    %dma_start3A_195 = tpu.memref_slice %arg4[%select_n3A, %add3A_188, %dma_start3A_194] : memref<4x512x4096xf32, #tpu.memory_space<hbm>> -> memref<1x4x4096xf32, #tpu.memory_space<hbm>>
    %dma_start3A_196 = tpu.memref_squeeze %dma_start3A_195 : memref<1x4x4096xf32, #tpu.memory_space<hbm>> -> memref<4x4096xf32, #tpu.memory_space<hbm>>
    %dma_start3A_197 = arith.constant 0 : i32
    %dma_start3A_198 = tpu.memref_slice %arg4[%select_n3A, %add3A_188, %dma_start3A_197] : memref<4x512x4096xf32, #tpu.memory_space<hbm>> -> memref<1x4x4096xf32, #tpu.memory_space<hbm>>
    %dma_start3A_199 = tpu.memref_squeeze %dma_start3A_198 : memref<1x4x4096xf32, #tpu.memory_space<hbm>> -> memref<4x4096xf32, #tpu.memory_space<hbm>>
    %dma_start3A_200 = arith.constant 0 : i32
    %dma_start3A_201 = arith.constant 0 : i32
    %dma_start3A_202 = tpu.memref_slice %arg6[%dma_start3A_189, %dma_start3A_200, %dma_start3A_201] : memref<7x4x4096xf32, #tpu.memory_space<vmem>> -> memref<1x4x4096xf32, #tpu.memory_space<vmem>>
    %dma_start3A_203 = tpu.memref_squeeze %dma_start3A_202 : memref<1x4x4096xf32, #tpu.memory_space<vmem>> -> memref<4x4096xf32, #tpu.memory_space<vmem>>
    tpu.enqueue_dma source(%dma_start3A_203 : memref<4x4096xf32, #tpu.memory_space<vmem>>) target(%dma_start3A_199 : memref<4x4096xf32, #tpu.memory_space<hbm>>) target_semaphore(%arg16 : memref<!tpu.dma_semaphore, #tpu.memory_space<semaphore_mem>>)
    %dma_wait3A_204 = arith.constant 0 : i32
    %dma_wait3A_205 = arith.constant 0 : i32
    %dma_wait3A_206 = arith.constant 0 : i32
    %dma_wait3A_207 = tpu.memref_slice %arg6[%dma_wait3A_204, %dma_wait3A_205, %dma_wait3A_206] : memref<7x4x4096xf32, #tpu.memory_space<vmem>> -> memref<1x4x4096xf32, #tpu.memory_space<vmem>>
    %dma_wait3A_208 = tpu.memref_squeeze %dma_wait3A_207 : memref<1x4x4096xf32, #tpu.memory_space<vmem>> -> memref<4x4096xf32, #tpu.memory_space<vmem>>
    %dma_wait3A_209 = arith.constant 0 : i32
    %dma_wait3A_210 = tpu.memref_slice %arg4[%select_n3A, %add3A_106, %dma_wait3A_209] : memref<4x512x4096xf32, #tpu.memory_space<hbm>> -> memref<1x4x4096xf32, #tpu.memory_space<hbm>>
    %dma_wait3A_211 = tpu.memref_squeeze %dma_wait3A_210 : memref<1x4x4096xf32, #tpu.memory_space<hbm>> -> memref<4x4096xf32, #tpu.memory_space<hbm>>
    %dma_wait3A_212 = arith.constant 0 : i32
    %dma_wait3A_213 = tpu.memref_slice %arg4[%select_n3A, %add3A_106, %dma_wait3A_212] : memref<4x512x4096xf32, #tpu.memory_space<hbm>> -> memref<1x4x4096xf32, #tpu.memory_space<hbm>>
    %dma_wait3A_214 = tpu.memref_squeeze %dma_wait3A_213 : memref<1x4x4096xf32, #tpu.memory_space<hbm>> -> memref<4x4096xf32, #tpu.memory_space<hbm>>
    %dma_wait3A_215 = arith.constant 0 : i32
    %dma_wait3A_216 = arith.constant 0 : i32
    %dma_wait3A_217 = tpu.memref_slice %arg6[%dma_wait3A_204, %dma_wait3A_215, %dma_wait3A_216] : memref<7x4x4096xf32, #tpu.memory_space<vmem>> -> memref<1x4x4096xf32, #tpu.memory_space<vmem>>
    %dma_wait3A_218 = tpu.memref_squeeze %dma_wait3A_217 : memref<1x4x4096xf32, #tpu.memory_space<vmem>> -> memref<4x4096xf32, #tpu.memory_space<vmem>>
    tpu.wait_dma2 semaphore(%arg14 : memref<!tpu.dma_semaphore, #tpu.memory_space<semaphore_mem>>) src(%dma_wait3A_218 : memref<4x4096xf32, #tpu.memory_space<vmem>>) dst(%dma_wait3A_214 : memref<4x4096xf32, #tpu.memory_space<hbm>>)
    %dma_start3A_219 = arith.constant 7 : i32
    %dma_start3A_220 = arith.constant 0 : i32
    %dma_start3A_221 = arith.constant 0 : i32
    %dma_start3A_222 = arith.constant 0 : i32
    %dma_start3A_223 = tpu.memref_slice %arg6[%dma_start3A_220, %dma_start3A_221, %dma_start3A_222] : memref<7x4x4096xf32, #tpu.memory_space<vmem>> -> memref<1x4x4096xf32, #tpu.memory_space<vmem>>
    %dma_start3A_224 = tpu.memref_squeeze %dma_start3A_223 : memref<1x4x4096xf32, #tpu.memory_space<vmem>> -> memref<4x4096xf32, #tpu.memory_space<vmem>>
    %dma_start3A_225 = arith.constant 0 : i32
    %dma_start3A_226 = tpu.memref_slice %arg5[%dma_start3A_219, %dma_start3A_225] : memref<16x4xi32, #tpu.memory_space<vmem>> -> memref<1x4xi32, #tpu.memory_space<vmem>>
    %dma_start3A_227 = tpu.memref_squeeze %dma_start3A_226 : memref<1x4xi32, #tpu.memory_space<vmem>> -> memref<4xi32, #tpu.memory_space<vmem>>
    %dma_start3A_228 = arith.constant 0 : i32
    %dma_start3A_229 = arith.constant 0 : i32
    %dma_start3A_230 = tpu.memref_slice %arg2[%dma_start3A_228, %dma_start3A_229] : memref<32128x4096xf32, #tpu.memory_space<hbm>> -> memref<32128x4096xf32, #tpu.memory_space<hbm>>
    tpu.enqueue_indirect_dma source(%dma_start3A_230 : memref<32128x4096xf32, #tpu.memory_space<hbm>>) target(%dma_start3A_224 : memref<4x4096xf32, #tpu.memory_space<vmem>>) offsets(%dma_start3A_227 : memref<4xi32, #tpu.memory_space<vmem>>) semaphore(%arg7 : memref<!tpu.dma_semaphore, #tpu.memory_space<semaphore_mem>>)
    %dma_wait3A_231 = arith.constant 3 : i32
    %dma_wait3A_232 = arith.constant 3 : i32
    %dma_wait3A_233 = arith.constant 0 : i32
    %dma_wait3A_234 = arith.constant 0 : i32
    %dma_wait3A_235 = tpu.memref_slice %arg6[%dma_wait3A_232, %dma_wait3A_233, %dma_wait3A_234] : memref<7x4x4096xf32, #tpu.memory_space<vmem>> -> memref<1x4x4096xf32, #tpu.memory_space<vmem>>
    %dma_wait3A_236 = tpu.memref_squeeze %dma_wait3A_235 : memref<1x4x4096xf32, #tpu.memory_space<vmem>> -> memref<4x4096xf32, #tpu.memory_space<vmem>>
    %dma_wait3A_237 = arith.constant 0 : i32
    %dma_wait3A_238 = tpu.memref_slice %arg5[%dma_wait3A_231, %dma_wait3A_237] : memref<16x4xi32, #tpu.memory_space<vmem>> -> memref<1x4xi32, #tpu.memory_space<vmem>>
    %dma_wait3A_239 = tpu.memref_squeeze %dma_wait3A_238 : memref<1x4xi32, #tpu.memory_space<vmem>> -> memref<4xi32, #tpu.memory_space<vmem>>
    %dma_wait3A_240 = arith.constant 0 : i32
    %dma_wait3A_241 = arith.constant 0 : i32
    %dma_wait3A_242 = tpu.memref_slice %arg2[%dma_wait3A_240, %dma_wait3A_241] : memref<32128x4096xf32, #tpu.memory_space<hbm>> -> memref<32128x4096xf32, #tpu.memory_space<hbm>>
    tpu.wait_indirect_dma semaphore(%arg10 : memref<!tpu.dma_semaphore, #tpu.memory_space<semaphore_mem>>) src(%dma_wait3A_242 : memref<32128x4096xf32, #tpu.memory_space<hbm>>) dst(%dma_wait3A_236 : memref<4x4096xf32, #tpu.memory_space<vmem>>)
    %add3A_243 = arith.constant 12 : i32
    %add3A_244 = arith.addi %mul3A_32, %add3A_243 : i32
    %dma_start3A_245 = arith.constant 3 : i32
    %dma_start3A_246 = arith.constant 0 : i32
    %dma_start3A_247 = arith.constant 0 : i32
    %dma_start3A_248 = tpu.memref_slice %arg6[%dma_start3A_245, %dma_start3A_246, %dma_start3A_247] : memref<7x4x4096xf32, #tpu.memory_space<vmem>> -> memref<1x4x4096xf32, #tpu.memory_space<vmem>>
    %dma_start3A_249 = tpu.memref_squeeze %dma_start3A_248 : memref<1x4x4096xf32, #tpu.memory_space<vmem>> -> memref<4x4096xf32, #tpu.memory_space<vmem>>
    %dma_start3A_250 = arith.constant 0 : i32
    %dma_start3A_251 = tpu.memref_slice %arg4[%select_n3A, %add3A_244, %dma_start3A_250] : memref<4x512x4096xf32, #tpu.memory_space<hbm>> -> memref<1x4x4096xf32, #tpu.memory_space<hbm>>
    %dma_start3A_252 = tpu.memref_squeeze %dma_start3A_251 : memref<1x4x4096xf32, #tpu.memory_space<hbm>> -> memref<4x4096xf32, #tpu.memory_space<hbm>>
    %dma_start3A_253 = arith.constant 0 : i32
    %dma_start3A_254 = tpu.memref_slice %arg4[%select_n3A, %add3A_244, %dma_start3A_253] : memref<4x512x4096xf32, #tpu.memory_space<hbm>> -> memref<1x4x4096xf32, #tpu.memory_space<hbm>>
    %dma_start3A_255 = tpu.memref_squeeze %dma_start3A_254 : memref<1x4x4096xf32, #tpu.memory_space<hbm>> -> memref<4x4096xf32, #tpu.memory_space<hbm>>
    %dma_start3A_256 = arith.constant 0 : i32
    %dma_start3A_257 = arith.constant 0 : i32
    %dma_start3A_258 = tpu.memref_slice %arg6[%dma_start3A_245, %dma_start3A_256, %dma_start3A_257] : memref<7x4x4096xf32, #tpu.memory_space<vmem>> -> memref<1x4x4096xf32, #tpu.memory_space<vmem>>
    %dma_start3A_259 = tpu.memref_squeeze %dma_start3A_258 : memref<1x4x4096xf32, #tpu.memory_space<vmem>> -> memref<4x4096xf32, #tpu.memory_space<vmem>>
    tpu.enqueue_dma source(%dma_start3A_259 : memref<4x4096xf32, #tpu.memory_space<vmem>>) target(%dma_start3A_255 : memref<4x4096xf32, #tpu.memory_space<hbm>>) target_semaphore(%arg17 : memref<!tpu.dma_semaphore, #tpu.memory_space<semaphore_mem>>)
    %dma_wait3A_260 = arith.constant 1 : i32
    %dma_wait3A_261 = arith.constant 0 : i32
    %dma_wait3A_262 = arith.constant 0 : i32
    %dma_wait3A_263 = tpu.memref_slice %arg6[%dma_wait3A_260, %dma_wait3A_261, %dma_wait3A_262] : memref<7x4x4096xf32, #tpu.memory_space<vmem>> -> memref<1x4x4096xf32, #tpu.memory_space<vmem>>
    %dma_wait3A_264 = tpu.memref_squeeze %dma_wait3A_263 : memref<1x4x4096xf32, #tpu.memory_space<vmem>> -> memref<4x4096xf32, #tpu.memory_space<vmem>>
    %dma_wait3A_265 = arith.constant 0 : i32
    %dma_wait3A_266 = tpu.memref_slice %arg4[%select_n3A, %add3A_147, %dma_wait3A_265] : memref<4x512x4096xf32, #tpu.memory_space<hbm>> -> memref<1x4x4096xf32, #tpu.memory_space<hbm>>
    %dma_wait3A_267 = tpu.memref_squeeze %dma_wait3A_266 : memref<1x4x4096xf32, #tpu.memory_space<hbm>> -> memref<4x4096xf32, #tpu.memory_space<hbm>>
    %dma_wait3A_268 = arith.constant 0 : i32
    %dma_wait3A_269 = tpu.memref_slice %arg4[%select_n3A, %add3A_147, %dma_wait3A_268] : memref<4x512x4096xf32, #tpu.memory_space<hbm>> -> memref<1x4x4096xf32, #tpu.memory_space<hbm>>
    %dma_wait3A_270 = tpu.memref_squeeze %dma_wait3A_269 : memref<1x4x4096xf32, #tpu.memory_space<hbm>> -> memref<4x4096xf32, #tpu.memory_space<hbm>>
    %dma_wait3A_271 = arith.constant 0 : i32
    %dma_wait3A_272 = arith.constant 0 : i32
    %dma_wait3A_273 = tpu.memref_slice %arg6[%dma_wait3A_260, %dma_wait3A_271, %dma_wait3A_272] : memref<7x4x4096xf32, #tpu.memory_space<vmem>> -> memref<1x4x4096xf32, #tpu.memory_space<vmem>>
    %dma_wait3A_274 = tpu.memref_squeeze %dma_wait3A_273 : memref<1x4x4096xf32, #tpu.memory_space<vmem>> -> memref<4x4096xf32, #tpu.memory_space<vmem>>
    tpu.wait_dma2 semaphore(%arg15 : memref<!tpu.dma_semaphore, #tpu.memory_space<semaphore_mem>>) src(%dma_wait3A_274 : memref<4x4096xf32, #tpu.memory_space<vmem>>) dst(%dma_wait3A_270 : memref<4x4096xf32, #tpu.memory_space<hbm>>)
    %dma_start3A_275 = arith.constant 8 : i32
    %dma_start3A_276 = arith.constant 1 : i32
    %dma_start3A_277 = arith.constant 0 : i32
    %dma_start3A_278 = arith.constant 0 : i32
    %dma_start3A_279 = tpu.memref_slice %arg6[%dma_start3A_276, %dma_start3A_277, %dma_start3A_278] : memref<7x4x4096xf32, #tpu.memory_space<vmem>> -> memref<1x4x4096xf32, #tpu.memory_space<vmem>>
    %dma_start3A_280 = tpu.memref_squeeze %dma_start3A_279 : memref<1x4x4096xf32, #tpu.memory_space<vmem>> -> memref<4x4096xf32, #tpu.memory_space<vmem>>
    %dma_start3A_281 = arith.constant 0 : i32
    %dma_start3A_282 = tpu.memref_slice %arg5[%dma_start3A_275, %dma_start3A_281] : memref<16x4xi32, #tpu.memory_space<vmem>> -> memref<1x4xi32, #tpu.memory_space<vmem>>
    %dma_start3A_283 = tpu.memref_squeeze %dma_start3A_282 : memref<1x4xi32, #tpu.memory_space<vmem>> -> memref<4xi32, #tpu.memory_space<vmem>>
    %dma_start3A_284 = arith.constant 0 : i32
    %dma_start3A_285 = arith.constant 0 : i32
    %dma_start3A_286 = tpu.memref_slice %arg2[%dma_start3A_284, %dma_start3A_285] : memref<32128x4096xf32, #tpu.memory_space<hbm>> -> memref<32128x4096xf32, #tpu.memory_space<hbm>>
    tpu.enqueue_indirect_dma source(%dma_start3A_286 : memref<32128x4096xf32, #tpu.memory_space<hbm>>) target(%dma_start3A_280 : memref<4x4096xf32, #tpu.memory_space<vmem>>) offsets(%dma_start3A_283 : memref<4xi32, #tpu.memory_space<vmem>>) semaphore(%arg8 : memref<!tpu.dma_semaphore, #tpu.memory_space<semaphore_mem>>)
    %dma_wait3A_287 = arith.constant 4 : i32
    %dma_wait3A_288 = arith.constant 4 : i32
    %dma_wait3A_289 = arith.constant 0 : i32
    %dma_wait3A_290 = arith.constant 0 : i32
    %dma_wait3A_291 = tpu.memref_slice %arg6[%dma_wait3A_288, %dma_wait3A_289, %dma_wait3A_290] : memref<7x4x4096xf32, #tpu.memory_space<vmem>> -> memref<1x4x4096xf32, #tpu.memory_space<vmem>>
    %dma_wait3A_292 = tpu.memref_squeeze %dma_wait3A_291 : memref<1x4x4096xf32, #tpu.memory_space<vmem>> -> memref<4x4096xf32, #tpu.memory_space<vmem>>
    %dma_wait3A_293 = arith.constant 0 : i32
    %dma_wait3A_294 = tpu.memref_slice %arg5[%dma_wait3A_287, %dma_wait3A_293] : memref<16x4xi32, #tpu.memory_space<vmem>> -> memref<1x4xi32, #tpu.memory_space<vmem>>
    %dma_wait3A_295 = tpu.memref_squeeze %dma_wait3A_294 : memref<1x4xi32, #tpu.memory_space<vmem>> -> memref<4xi32, #tpu.memory_space<vmem>>
    %dma_wait3A_296 = arith.constant 0 : i32
    %dma_wait3A_297 = arith.constant 0 : i32
    %dma_wait3A_298 = tpu.memref_slice %arg2[%dma_wait3A_296, %dma_wait3A_297] : memref<32128x4096xf32, #tpu.memory_space<hbm>> -> memref<32128x4096xf32, #tpu.memory_space<hbm>>
    tpu.wait_indirect_dma semaphore(%arg11 : memref<!tpu.dma_semaphore, #tpu.memory_space<semaphore_mem>>) src(%dma_wait3A_298 : memref<32128x4096xf32, #tpu.memory_space<hbm>>) dst(%dma_wait3A_292 : memref<4x4096xf32, #tpu.memory_space<vmem>>)
    %add3A_299 = arith.constant 16 : i32
    %add3A_300 = arith.addi %mul3A_32, %add3A_299 : i32
    %dma_start3A_301 = arith.constant 4 : i32
    %dma_start3A_302 = arith.constant 0 : i32
    %dma_start3A_303 = arith.constant 0 : i32
    %dma_start3A_304 = tpu.memref_slice %arg6[%dma_start3A_301, %dma_start3A_302, %dma_start3A_303] : memref<7x4x4096xf32, #tpu.memory_space<vmem>> -> memref<1x4x4096xf32, #tpu.memory_space<vmem>>
    %dma_start3A_305 = tpu.memref_squeeze %dma_start3A_304 : memref<1x4x4096xf32, #tpu.memory_space<vmem>> -> memref<4x4096xf32, #tpu.memory_space<vmem>>
    %dma_start3A_306 = arith.constant 0 : i32
    %dma_start3A_307 = tpu.memref_slice %arg4[%select_n3A, %add3A_300, %dma_start3A_306] : memref<4x512x4096xf32, #tpu.memory_space<hbm>> -> memref<1x4x4096xf32, #tpu.memory_space<hbm>>
    %dma_start3A_308 = tpu.memref_squeeze %dma_start3A_307 : memref<1x4x4096xf32, #tpu.memory_space<hbm>> -> memref<4x4096xf32, #tpu.memory_space<hbm>>
    %dma_start3A_309 = arith.constant 0 : i32
    %dma_start3A_310 = tpu.memref_slice %arg4[%select_n3A, %add3A_300, %dma_start3A_309] : memref<4x512x4096xf32, #tpu.memory_space<hbm>> -> memref<1x4x4096xf32, #tpu.memory_space<hbm>>
    %dma_start3A_311 = tpu.memref_squeeze %dma_start3A_310 : memref<1x4x4096xf32, #tpu.memory_space<hbm>> -> memref<4x4096xf32, #tpu.memory_space<hbm>>
    %dma_start3A_312 = arith.constant 0 : i32
    %dma_start3A_313 = arith.constant 0 : i32
    %dma_start3A_314 = tpu.memref_slice %arg6[%dma_start3A_301, %dma_start3A_312, %dma_start3A_313] : memref<7x4x4096xf32, #tpu.memory_space<vmem>> -> memref<1x4x4096xf32, #tpu.memory_space<vmem>>
    %dma_start3A_315 = tpu.memref_squeeze %dma_start3A_314 : memref<1x4x4096xf32, #tpu.memory_space<vmem>> -> memref<4x4096xf32, #tpu.memory_space<vmem>>
    tpu.enqueue_dma source(%dma_start3A_315 : memref<4x4096xf32, #tpu.memory_space<vmem>>) target(%dma_start3A_311 : memref<4x4096xf32, #tpu.memory_space<hbm>>) target_semaphore(%arg18 : memref<!tpu.dma_semaphore, #tpu.memory_space<semaphore_mem>>)
    %dma_wait3A_316 = arith.constant 2 : i32
    %dma_wait3A_317 = arith.constant 0 : i32
    %dma_wait3A_318 = arith.constant 0 : i32
    %dma_wait3A_319 = tpu.memref_slice %arg6[%dma_wait3A_316, %dma_wait3A_317, %dma_wait3A_318] : memref<7x4x4096xf32, #tpu.memory_space<vmem>> -> memref<1x4x4096xf32, #tpu.memory_space<vmem>>
    %dma_wait3A_320 = tpu.memref_squeeze %dma_wait3A_319 : memref<1x4x4096xf32, #tpu.memory_space<vmem>> -> memref<4x4096xf32, #tpu.memory_space<vmem>>
    %dma_wait3A_321 = arith.constant 0 : i32
    %dma_wait3A_322 = tpu.memref_slice %arg4[%select_n3A, %add3A_188, %dma_wait3A_321] : memref<4x512x4096xf32, #tpu.memory_space<hbm>> -> memref<1x4x4096xf32, #tpu.memory_space<hbm>>
    %dma_wait3A_323 = tpu.memref_squeeze %dma_wait3A_322 : memref<1x4x4096xf32, #tpu.memory_space<hbm>> -> memref<4x4096xf32, #tpu.memory_space<hbm>>
    %dma_wait3A_324 = arith.constant 0 : i32
    %dma_wait3A_325 = tpu.memref_slice %arg4[%select_n3A, %add3A_188, %dma_wait3A_324] : memref<4x512x4096xf32, #tpu.memory_space<hbm>> -> memref<1x4x4096xf32, #tpu.memory_space<hbm>>
    %dma_wait3A_326 = tpu.memref_squeeze %dma_wait3A_325 : memref<1x4x4096xf32, #tpu.memory_space<hbm>> -> memref<4x4096xf32, #tpu.memory_space<hbm>>
    %dma_wait3A_327 = arith.constant 0 : i32
    %dma_wait3A_328 = arith.constant 0 : i32
    %dma_wait3A_329 = tpu.memref_slice %arg6[%dma_wait3A_316, %dma_wait3A_327, %dma_wait3A_328] : memref<7x4x4096xf32, #tpu.memory_space<vmem>> -> memref<1x4x4096xf32, #tpu.memory_space<vmem>>
    %dma_wait3A_330 = tpu.memref_squeeze %dma_wait3A_329 : memref<1x4x4096xf32, #tpu.memory_space<vmem>> -> memref<4x4096xf32, #tpu.memory_space<vmem>>
    tpu.wait_dma2 semaphore(%arg16 : memref<!tpu.dma_semaphore, #tpu.memory_space<semaphore_mem>>) src(%dma_wait3A_330 : memref<4x4096xf32, #tpu.memory_space<vmem>>) dst(%dma_wait3A_326 : memref<4x4096xf32, #tpu.memory_space<hbm>>)
    %dma_start3A_331 = arith.constant 9 : i32
    %dma_start3A_332 = arith.constant 2 : i32
    %dma_start3A_333 = arith.constant 0 : i32
    %dma_start3A_334 = arith.constant 0 : i32
    %dma_start3A_335 = tpu.memref_slice %arg6[%dma_start3A_332, %dma_start3A_333, %dma_start3A_334] : memref<7x4x4096xf32, #tpu.memory_space<vmem>> -> memref<1x4x4096xf32, #tpu.memory_space<vmem>>
    %dma_start3A_336 = tpu.memref_squeeze %dma_start3A_335 : memref<1x4x4096xf32, #tpu.memory_space<vmem>> -> memref<4x4096xf32, #tpu.memory_space<vmem>>
    %dma_start3A_337 = arith.constant 0 : i32
    %dma_start3A_338 = tpu.memref_slice %arg5[%dma_start3A_331, %dma_start3A_337] : memref<16x4xi32, #tpu.memory_space<vmem>> -> memref<1x4xi32, #tpu.memory_space<vmem>>
    %dma_start3A_339 = tpu.memref_squeeze %dma_start3A_338 : memref<1x4xi32, #tpu.memory_space<vmem>> -> memref<4xi32, #tpu.memory_space<vmem>>
    %dma_start3A_340 = arith.constant 0 : i32
    %dma_start3A_341 = arith.constant 0 : i32
    %dma_start3A_342 = tpu.memref_slice %arg2[%dma_start3A_340, %dma_start3A_341] : memref<32128x4096xf32, #tpu.memory_space<hbm>> -> memref<32128x4096xf32, #tpu.memory_space<hbm>>
    tpu.enqueue_indirect_dma source(%dma_start3A_342 : memref<32128x4096xf32, #tpu.memory_space<hbm>>) target(%dma_start3A_336 : memref<4x4096xf32, #tpu.memory_space<vmem>>) offsets(%dma_start3A_339 : memref<4xi32, #tpu.memory_space<vmem>>) semaphore(%arg9 : memref<!tpu.dma_semaphore, #tpu.memory_space<semaphore_mem>>)
    %dma_wait3A_343 = arith.constant 5 : i32
    %dma_wait3A_344 = arith.constant 5 : i32
    %dma_wait3A_345 = arith.constant 0 : i32
    %dma_wait3A_346 = arith.constant 0 : i32
    %dma_wait3A_347 = tpu.memref_slice %arg6[%dma_wait3A_344, %dma_wait3A_345, %dma_wait3A_346] : memref<7x4x4096xf32, #tpu.memory_space<vmem>> -> memref<1x4x4096xf32, #tpu.memory_space<vmem>>
    %dma_wait3A_348 = tpu.memref_squeeze %dma_wait3A_347 : memref<1x4x4096xf32, #tpu.memory_space<vmem>> -> memref<4x4096xf32, #tpu.memory_space<vmem>>
    %dma_wait3A_349 = arith.constant 0 : i32
    %dma_wait3A_350 = tpu.memref_slice %arg5[%dma_wait3A_343, %dma_wait3A_349] : memref<16x4xi32, #tpu.memory_space<vmem>> -> memref<1x4xi32, #tpu.memory_space<vmem>>
    %dma_wait3A_351 = tpu.memref_squeeze %dma_wait3A_350 : memref<1x4xi32, #tpu.memory_space<vmem>> -> memref<4xi32, #tpu.memory_space<vmem>>
    %dma_wait3A_352 = arith.constant 0 : i32
    %dma_wait3A_353 = arith.constant 0 : i32
    %dma_wait3A_354 = tpu.memref_slice %arg2[%dma_wait3A_352, %dma_wait3A_353] : memref<32128x4096xf32, #tpu.memory_space<hbm>> -> memref<32128x4096xf32, #tpu.memory_space<hbm>>
    tpu.wait_indirect_dma semaphore(%arg12 : memref<!tpu.dma_semaphore, #tpu.memory_space<semaphore_mem>>) src(%dma_wait3A_354 : memref<32128x4096xf32, #tpu.memory_space<hbm>>) dst(%dma_wait3A_348 : memref<4x4096xf32, #tpu.memory_space<vmem>>)
    %add3A_355 = arith.constant 20 : i32
    %add3A_356 = arith.addi %mul3A_32, %add3A_355 : i32
    %dma_start3A_357 = arith.constant 5 : i32
    %dma_start3A_358 = arith.constant 0 : i32
    %dma_start3A_359 = arith.constant 0 : i32
    %dma_start3A_360 = tpu.memref_slice %arg6[%dma_start3A_357, %dma_start3A_358, %dma_start3A_359] : memref<7x4x4096xf32, #tpu.memory_space<vmem>> -> memref<1x4x4096xf32, #tpu.memory_space<vmem>>
    %dma_start3A_361 = tpu.memref_squeeze %dma_start3A_360 : memref<1x4x4096xf32, #tpu.memory_space<vmem>> -> memref<4x4096xf32, #tpu.memory_space<vmem>>
    %dma_start3A_362 = arith.constant 0 : i32
    %dma_start3A_363 = tpu.memref_slice %arg4[%select_n3A, %add3A_356, %dma_start3A_362] : memref<4x512x4096xf32, #tpu.memory_space<hbm>> -> memref<1x4x4096xf32, #tpu.memory_space<hbm>>
    %dma_start3A_364 = tpu.memref_squeeze %dma_start3A_363 : memref<1x4x4096xf32, #tpu.memory_space<hbm>> -> memref<4x4096xf32, #tpu.memory_space<hbm>>
    %dma_start3A_365 = arith.constant 0 : i32
    %dma_start3A_366 = tpu.memref_slice %arg4[%select_n3A, %add3A_356, %dma_start3A_365] : memref<4x512x4096xf32, #tpu.memory_space<hbm>> -> memref<1x4x4096xf32, #tpu.memory_space<hbm>>
    %dma_start3A_367 = tpu.memref_squeeze %dma_start3A_366 : memref<1x4x4096xf32, #tpu.memory_space<hbm>> -> memref<4x4096xf32, #tpu.memory_space<hbm>>
    %dma_start3A_368 = arith.constant 0 : i32
    %dma_start3A_369 = arith.constant 0 : i32
    %dma_start3A_370 = tpu.memref_slice %arg6[%dma_start3A_357, %dma_start3A_368, %dma_start3A_369] : memref<7x4x4096xf32, #tpu.memory_space<vmem>> -> memref<1x4x4096xf32, #tpu.memory_space<vmem>>
    %dma_start3A_371 = tpu.memref_squeeze %dma_start3A_370 : memref<1x4x4096xf32, #tpu.memory_space<vmem>> -> memref<4x4096xf32, #tpu.memory_space<vmem>>
    tpu.enqueue_dma source(%dma_start3A_371 : memref<4x4096xf32, #tpu.memory_space<vmem>>) target(%dma_start3A_367 : memref<4x4096xf32, #tpu.memory_space<hbm>>) target_semaphore(%arg19 : memref<!tpu.dma_semaphore, #tpu.memory_space<semaphore_mem>>)
    %dma_wait3A_372 = arith.constant 3 : i32
    %dma_wait3A_373 = arith.constant 0 : i32
    %dma_wait3A_374 = arith.constant 0 : i32
    %dma_wait3A_375 = tpu.memref_slice %arg6[%dma_wait3A_372, %dma_wait3A_373, %dma_wait3A_374] : memref<7x4x4096xf32, #tpu.memory_space<vmem>> -> memref<1x4x4096xf32, #tpu.memory_space<vmem>>
    %dma_wait3A_376 = tpu.memref_squeeze %dma_wait3A_375 : memref<1x4x4096xf32, #tpu.memory_space<vmem>> -> memref<4x4096xf32, #tpu.memory_space<vmem>>
    %dma_wait3A_377 = arith.constant 0 : i32
    %dma_wait3A_378 = tpu.memref_slice %arg4[%select_n3A, %add3A_244, %dma_wait3A_377] : memref<4x512x4096xf32, #tpu.memory_space<hbm>> -> memref<1x4x4096xf32, #tpu.memory_space<hbm>>
    %dma_wait3A_379 = tpu.memref_squeeze %dma_wait3A_378 : memref<1x4x4096xf32, #tpu.memory_space<hbm>> -> memref<4x4096xf32, #tpu.memory_space<hbm>>
    %dma_wait3A_380 = arith.constant 0 : i32
    %dma_wait3A_381 = tpu.memref_slice %arg4[%select_n3A, %add3A_244, %dma_wait3A_380] : memref<4x512x4096xf32, #tpu.memory_space<hbm>> -> memref<1x4x4096xf32, #tpu.memory_space<hbm>>
    %dma_wait3A_382 = tpu.memref_squeeze %dma_wait3A_381 : memref<1x4x4096xf32, #tpu.memory_space<hbm>> -> memref<4x4096xf32, #tpu.memory_space<hbm>>
    %dma_wait3A_383 = arith.constant 0 : i32
    %dma_wait3A_384 = arith.constant 0 : i32
    %dma_wait3A_385 = tpu.memref_slice %arg6[%dma_wait3A_372, %dma_wait3A_383, %dma_wait3A_384] : memref<7x4x4096xf32, #tpu.memory_space<vmem>> -> memref<1x4x4096xf32, #tpu.memory_space<vmem>>
    %dma_wait3A_386 = tpu.memref_squeeze %dma_wait3A_385 : memref<1x4x4096xf32, #tpu.memory_space<vmem>> -> memref<4x4096xf32, #tpu.memory_space<vmem>>
    tpu.wait_dma2 semaphore(%arg17 : memref<!tpu.dma_semaphore, #tpu.memory_space<semaphore_mem>>) src(%dma_wait3A_386 : memref<4x4096xf32, #tpu.memory_space<vmem>>) dst(%dma_wait3A_382 : memref<4x4096xf32, #tpu.memory_space<hbm>>)
    %dma_start3A_387 = arith.constant 10 : i32
    %dma_start3A_388 = arith.constant 3 : i32
    %dma_start3A_389 = arith.constant 0 : i32
    %dma_start3A_390 = arith.constant 0 : i32
    %dma_start3A_391 = tpu.memref_slice %arg6[%dma_start3A_388, %dma_start3A_389, %dma_start3A_390] : memref<7x4x4096xf32, #tpu.memory_space<vmem>> -> memref<1x4x4096xf32, #tpu.memory_space<vmem>>
    %dma_start3A_392 = tpu.memref_squeeze %dma_start3A_391 : memref<1x4x4096xf32, #tpu.memory_space<vmem>> -> memref<4x4096xf32, #tpu.memory_space<vmem>>
    %dma_start3A_393 = arith.constant 0 : i32
    %dma_start3A_394 = tpu.memref_slice %arg5[%dma_start3A_387, %dma_start3A_393] : memref<16x4xi32, #tpu.memory_space<vmem>> -> memref<1x4xi32, #tpu.memory_space<vmem>>
    %dma_start3A_395 = tpu.memref_squeeze %dma_start3A_394 : memref<1x4xi32, #tpu.memory_space<vmem>> -> memref<4xi32, #tpu.memory_space<vmem>>
    %dma_start3A_396 = arith.constant 0 : i32
    %dma_start3A_397 = arith.constant 0 : i32
    %dma_start3A_398 = tpu.memref_slice %arg2[%dma_start3A_396, %dma_start3A_397] : memref<32128x4096xf32, #tpu.memory_space<hbm>> -> memref<32128x4096xf32, #tpu.memory_space<hbm>>
    tpu.enqueue_indirect_dma source(%dma_start3A_398 : memref<32128x4096xf32, #tpu.memory_space<hbm>>) target(%dma_start3A_392 : memref<4x4096xf32, #tpu.memory_space<vmem>>) offsets(%dma_start3A_395 : memref<4xi32, #tpu.memory_space<vmem>>) semaphore(%arg10 : memref<!tpu.dma_semaphore, #tpu.memory_space<semaphore_mem>>)
    %dma_wait3A_399 = arith.constant 6 : i32
    %dma_wait3A_400 = arith.constant 6 : i32
    %dma_wait3A_401 = arith.constant 0 : i32
    %dma_wait3A_402 = arith.constant 0 : i32
    %dma_wait3A_403 = tpu.memref_slice %arg6[%dma_wait3A_400, %dma_wait3A_401, %dma_wait3A_402] : memref<7x4x4096xf32, #tpu.memory_space<vmem>> -> memref<1x4x4096xf32, #tpu.memory_space<vmem>>
    %dma_wait3A_404 = tpu.memref_squeeze %dma_wait3A_403 : memref<1x4x4096xf32, #tpu.memory_space<vmem>> -> memref<4x4096xf32, #tpu.memory_space<vmem>>
    %dma_wait3A_405 = arith.constant 0 : i32
    %dma_wait3A_406 = tpu.memref_slice %arg5[%dma_wait3A_399, %dma_wait3A_405] : memref<16x4xi32, #tpu.memory_space<vmem>> -> memref<1x4xi32, #tpu.memory_space<vmem>>
    %dma_wait3A_407 = tpu.memref_squeeze %dma_wait3A_406 : memref<1x4xi32, #tpu.memory_space<vmem>> -> memref<4xi32, #tpu.memory_space<vmem>>
    %dma_wait3A_408 = arith.constant 0 : i32
    %dma_wait3A_409 = arith.constant 0 : i32
    %dma_wait3A_410 = tpu.memref_slice %arg2[%dma_wait3A_408, %dma_wait3A_409] : memref<32128x4096xf32, #tpu.memory_space<hbm>> -> memref<32128x4096xf32, #tpu.memory_space<hbm>>
    tpu.wait_indirect_dma semaphore(%arg13 : memref<!tpu.dma_semaphore, #tpu.memory_space<semaphore_mem>>) src(%dma_wait3A_410 : memref<32128x4096xf32, #tpu.memory_space<hbm>>) dst(%dma_wait3A_404 : memref<4x4096xf32, #tpu.memory_space<vmem>>)
    %add3A_411 = arith.constant 24 : i32
    %add3A_412 = arith.addi %mul3A_32, %add3A_411 : i32
    %dma_start3A_413 = arith.constant 6 : i32
    %dma_start3A_414 = arith.constant 0 : i32
    %dma_start3A_415 = arith.constant 0 : i32
    %dma_start3A_416 = tpu.memref_slice %arg6[%dma_start3A_413, %dma_start3A_414, %dma_start3A_415] : memref<7x4x4096xf32, #tpu.memory_space<vmem>> -> memref<1x4x4096xf32, #tpu.memory_space<vmem>>
    %dma_start3A_417 = tpu.memref_squeeze %dma_start3A_416 : memref<1x4x4096xf32, #tpu.memory_space<vmem>> -> memref<4x4096xf32, #tpu.memory_space<vmem>>
    %dma_start3A_418 = arith.constant 0 : i32
    %dma_start3A_419 = tpu.memref_slice %arg4[%select_n3A, %add3A_412, %dma_start3A_418] : memref<4x512x4096xf32, #tpu.memory_space<hbm>> -> memref<1x4x4096xf32, #tpu.memory_space<hbm>>
    %dma_start3A_420 = tpu.memref_squeeze %dma_start3A_419 : memref<1x4x4096xf32, #tpu.memory_space<hbm>> -> memref<4x4096xf32, #tpu.memory_space<hbm>>
    %dma_start3A_421 = arith.constant 0 : i32
    %dma_start3A_422 = tpu.memref_slice %arg4[%select_n3A, %add3A_412, %dma_start3A_421] : memref<4x512x4096xf32, #tpu.memory_space<hbm>> -> memref<1x4x4096xf32, #tpu.memory_space<hbm>>
    %dma_start3A_423 = tpu.memref_squeeze %dma_start3A_422 : memref<1x4x4096xf32, #tpu.memory_space<hbm>> -> memref<4x4096xf32, #tpu.memory_space<hbm>>
    %dma_start3A_424 = arith.constant 0 : i32
    %dma_start3A_425 = arith.constant 0 : i32
    %dma_start3A_426 = tpu.memref_slice %arg6[%dma_start3A_413, %dma_start3A_424, %dma_start3A_425] : memref<7x4x4096xf32, #tpu.memory_space<vmem>> -> memref<1x4x4096xf32, #tpu.memory_space<vmem>>
    %dma_start3A_427 = tpu.memref_squeeze %dma_start3A_426 : memref<1x4x4096xf32, #tpu.memory_space<vmem>> -> memref<4x4096xf32, #tpu.memory_space<vmem>>
    tpu.enqueue_dma source(%dma_start3A_427 : memref<4x4096xf32, #tpu.memory_space<vmem>>) target(%dma_start3A_423 : memref<4x4096xf32, #tpu.memory_space<hbm>>) target_semaphore(%arg20 : memref<!tpu.dma_semaphore, #tpu.memory_space<semaphore_mem>>)
    %dma_wait3A_428 = arith.constant 4 : i32
    %dma_wait3A_429 = arith.constant 0 : i32
    %dma_wait3A_430 = arith.constant 0 : i32
    %dma_wait3A_431 = tpu.memref_slice %arg6[%dma_wait3A_428, %dma_wait3A_429, %dma_wait3A_430] : memref<7x4x4096xf32, #tpu.memory_space<vmem>> -> memref<1x4x4096xf32, #tpu.memory_space<vmem>>
    %dma_wait3A_432 = tpu.memref_squeeze %dma_wait3A_431 : memref<1x4x4096xf32, #tpu.memory_space<vmem>> -> memref<4x4096xf32, #tpu.memory_space<vmem>>
    %dma_wait3A_433 = arith.constant 0 : i32
    %dma_wait3A_434 = tpu.memref_slice %arg4[%select_n3A, %add3A_300, %dma_wait3A_433] : memref<4x512x4096xf32, #tpu.memory_space<hbm>> -> memref<1x4x4096xf32, #tpu.memory_space<hbm>>
    %dma_wait3A_435 = tpu.memref_squeeze %dma_wait3A_434 : memref<1x4x4096xf32, #tpu.memory_space<hbm>> -> memref<4x4096xf32, #tpu.memory_space<hbm>>
    %dma_wait3A_436 = arith.constant 0 : i32
    %dma_wait3A_437 = tpu.memref_slice %arg4[%select_n3A, %add3A_300, %dma_wait3A_436] : memref<4x512x4096xf32, #tpu.memory_space<hbm>> -> memref<1x4x4096xf32, #tpu.memory_space<hbm>>
    %dma_wait3A_438 = tpu.memref_squeeze %dma_wait3A_437 : memref<1x4x4096xf32, #tpu.memory_space<hbm>> -> memref<4x4096xf32, #tpu.memory_space<hbm>>
    %dma_wait3A_439 = arith.constant 0 : i32
    %dma_wait3A_440 = arith.constant 0 : i32
    %dma_wait3A_441 = tpu.memref_slice %arg6[%dma_wait3A_428, %dma_wait3A_439, %dma_wait3A_440] : memref<7x4x4096xf32, #tpu.memory_space<vmem>> -> memref<1x4x4096xf32, #tpu.memory_space<vmem>>
    %dma_wait3A_442 = tpu.memref_squeeze %dma_wait3A_441 : memref<1x4x4096xf32, #tpu.memory_space<vmem>> -> memref<4x4096xf32, #tpu.memory_space<vmem>>
    tpu.wait_dma2 semaphore(%arg18 : memref<!tpu.dma_semaphore, #tpu.memory_space<semaphore_mem>>) src(%dma_wait3A_442 : memref<4x4096xf32, #tpu.memory_space<vmem>>) dst(%dma_wait3A_438 : memref<4x4096xf32, #tpu.memory_space<hbm>>)
    %dma_start3A_443 = arith.constant 11 : i32
    %dma_start3A_444 = arith.constant 4 : i32
    %dma_start3A_445 = arith.constant 0 : i32
    %dma_start3A_446 = arith.constant 0 : i32
    %dma_start3A_447 = tpu.memref_slice %arg6[%dma_start3A_444, %dma_start3A_445, %dma_start3A_446] : memref<7x4x4096xf32, #tpu.memory_space<vmem>> -> memref<1x4x4096xf32, #tpu.memory_space<vmem>>
    %dma_start3A_448 = tpu.memref_squeeze %dma_start3A_447 : memref<1x4x4096xf32, #tpu.memory_space<vmem>> -> memref<4x4096xf32, #tpu.memory_space<vmem>>
    %dma_start3A_449 = arith.constant 0 : i32
    %dma_start3A_450 = tpu.memref_slice %arg5[%dma_start3A_443, %dma_start3A_449] : memref<16x4xi32, #tpu.memory_space<vmem>> -> memref<1x4xi32, #tpu.memory_space<vmem>>
    %dma_start3A_451 = tpu.memref_squeeze %dma_start3A_450 : memref<1x4xi32, #tpu.memory_space<vmem>> -> memref<4xi32, #tpu.memory_space<vmem>>
    %dma_start3A_452 = arith.constant 0 : i32
    %dma_start3A_453 = arith.constant 0 : i32
    %dma_start3A_454 = tpu.memref_slice %arg2[%dma_start3A_452, %dma_start3A_453] : memref<32128x4096xf32, #tpu.memory_space<hbm>> -> memref<32128x4096xf32, #tpu.memory_space<hbm>>
    tpu.enqueue_indirect_dma source(%dma_start3A_454 : memref<32128x4096xf32, #tpu.memory_space<hbm>>) target(%dma_start3A_448 : memref<4x4096xf32, #tpu.memory_space<vmem>>) offsets(%dma_start3A_451 : memref<4xi32, #tpu.memory_space<vmem>>) semaphore(%arg11 : memref<!tpu.dma_semaphore, #tpu.memory_space<semaphore_mem>>)
    %dma_wait3A_455 = arith.constant 7 : i32
    %dma_wait3A_456 = arith.constant 0 : i32
    %dma_wait3A_457 = arith.constant 0 : i32
    %dma_wait3A_458 = arith.constant 0 : i32
    %dma_wait3A_459 = tpu.memref_slice %arg6[%dma_wait3A_456, %dma_wait3A_457, %dma_wait3A_458] : memref<7x4x4096xf32, #tpu.memory_space<vmem>> -> memref<1x4x4096xf32, #tpu.memory_space<vmem>>
    %dma_wait3A_460 = tpu.memref_squeeze %dma_wait3A_459 : memref<1x4x4096xf32, #tpu.memory_space<vmem>> -> memref<4x4096xf32, #tpu.memory_space<vmem>>
    %dma_wait3A_461 = arith.constant 0 : i32
    %dma_wait3A_462 = tpu.memref_slice %arg5[%dma_wait3A_455, %dma_wait3A_461] : memref<16x4xi32, #tpu.memory_space<vmem>> -> memref<1x4xi32, #tpu.memory_space<vmem>>
    %dma_wait3A_463 = tpu.memref_squeeze %dma_wait3A_462 : memref<1x4xi32, #tpu.memory_space<vmem>> -> memref<4xi32, #tpu.memory_space<vmem>>
    %dma_wait3A_464 = arith.constant 0 : i32
    %dma_wait3A_465 = arith.constant 0 : i32
    %dma_wait3A_466 = tpu.memref_slice %arg2[%dma_wait3A_464, %dma_wait3A_465] : memref<32128x4096xf32, #tpu.memory_space<hbm>> -> memref<32128x4096xf32, #tpu.memory_space<hbm>>
    tpu.wait_indirect_dma semaphore(%arg7 : memref<!tpu.dma_semaphore, #tpu.memory_space<semaphore_mem>>) src(%dma_wait3A_466 : memref<32128x4096xf32, #tpu.memory_space<hbm>>) dst(%dma_wait3A_460 : memref<4x4096xf32, #tpu.memory_space<vmem>>)
    %add3A_467 = arith.constant 28 : i32
    %add3A_468 = arith.addi %mul3A_32, %add3A_467 : i32
    %dma_start3A_469 = arith.constant 0 : i32
    %dma_start3A_470 = arith.constant 0 : i32
    %dma_start3A_471 = arith.constant 0 : i32
    %dma_start3A_472 = tpu.memref_slice %arg6[%dma_start3A_469, %dma_start3A_470, %dma_start3A_471] : memref<7x4x4096xf32, #tpu.memory_space<vmem>> -> memref<1x4x4096xf32, #tpu.memory_space<vmem>>
    %dma_start3A_473 = tpu.memref_squeeze %dma_start3A_472 : memref<1x4x4096xf32, #tpu.memory_space<vmem>> -> memref<4x4096xf32, #tpu.memory_space<vmem>>
    %dma_start3A_474 = arith.constant 0 : i32
    %dma_start3A_475 = tpu.memref_slice %arg4[%select_n3A, %add3A_468, %dma_start3A_474] : memref<4x512x4096xf32, #tpu.memory_space<hbm>> -> memref<1x4x4096xf32, #tpu.memory_space<hbm>>
    %dma_start3A_476 = tpu.memref_squeeze %dma_start3A_475 : memref<1x4x4096xf32, #tpu.memory_space<hbm>> -> memref<4x4096xf32, #tpu.memory_space<hbm>>
    %dma_start3A_477 = arith.constant 0 : i32
    %dma_start3A_478 = tpu.memref_slice %arg4[%select_n3A, %add3A_468, %dma_start3A_477] : memref<4x512x4096xf32, #tpu.memory_space<hbm>> -> memref<1x4x4096xf32, #tpu.memory_space<hbm>>
    %dma_start3A_479 = tpu.memref_squeeze %dma_start3A_478 : memref<1x4x4096xf32, #tpu.memory_space<hbm>> -> memref<4x4096xf32, #tpu.memory_space<hbm>>
    %dma_start3A_480 = arith.constant 0 : i32
    %dma_start3A_481 = arith.constant 0 : i32
    %dma_start3A_482 = tpu.memref_slice %arg6[%dma_start3A_469, %dma_start3A_480, %dma_start3A_481] : memref<7x4x4096xf32, #tpu.memory_space<vmem>> -> memref<1x4x4096xf32, #tpu.memory_space<vmem>>
    %dma_start3A_483 = tpu.memref_squeeze %dma_start3A_482 : memref<1x4x4096xf32, #tpu.memory_space<vmem>> -> memref<4x4096xf32, #tpu.memory_space<vmem>>
    tpu.enqueue_dma source(%dma_start3A_483 : memref<4x4096xf32, #tpu.memory_space<vmem>>) target(%dma_start3A_479 : memref<4x4096xf32, #tpu.memory_space<hbm>>) target_semaphore(%arg14 : memref<!tpu.dma_semaphore, #tpu.memory_space<semaphore_mem>>)
    %dma_wait3A_484 = arith.constant 5 : i32
    %dma_wait3A_485 = arith.constant 0 : i32
    %dma_wait3A_486 = arith.constant 0 : i32
    %dma_wait3A_487 = tpu.memref_slice %arg6[%dma_wait3A_484, %dma_wait3A_485, %dma_wait3A_486] : memref<7x4x4096xf32, #tpu.memory_space<vmem>> -> memref<1x4x4096xf32, #tpu.memory_space<vmem>>
    %dma_wait3A_488 = tpu.memref_squeeze %dma_wait3A_487 : memref<1x4x4096xf32, #tpu.memory_space<vmem>> -> memref<4x4096xf32, #tpu.memory_space<vmem>>
    %dma_wait3A_489 = arith.constant 0 : i32
    %dma_wait3A_490 = tpu.memref_slice %arg4[%select_n3A, %add3A_356, %dma_wait3A_489] : memref<4x512x4096xf32, #tpu.memory_space<hbm>> -> memref<1x4x4096xf32, #tpu.memory_space<hbm>>
    %dma_wait3A_491 = tpu.memref_squeeze %dma_wait3A_490 : memref<1x4x4096xf32, #tpu.memory_space<hbm>> -> memref<4x4096xf32, #tpu.memory_space<hbm>>
    %dma_wait3A_492 = arith.constant 0 : i32
    %dma_wait3A_493 = tpu.memref_slice %arg4[%select_n3A, %add3A_356, %dma_wait3A_492] : memref<4x512x4096xf32, #tpu.memory_space<hbm>> -> memref<1x4x4096xf32, #tpu.memory_space<hbm>>
    %dma_wait3A_494 = tpu.memref_squeeze %dma_wait3A_493 : memref<1x4x4096xf32, #tpu.memory_space<hbm>> -> memref<4x4096xf32, #tpu.memory_space<hbm>>
    %dma_wait3A_495 = arith.constant 0 : i32
    %dma_wait3A_496 = arith.constant 0 : i32
    %dma_wait3A_497 = tpu.memref_slice %arg6[%dma_wait3A_484, %dma_wait3A_495, %dma_wait3A_496] : memref<7x4x4096xf32, #tpu.memory_space<vmem>> -> memref<1x4x4096xf32, #tpu.memory_space<vmem>>
    %dma_wait3A_498 = tpu.memref_squeeze %dma_wait3A_497 : memref<1x4x4096xf32, #tpu.memory_space<vmem>> -> memref<4x4096xf32, #tpu.memory_space<vmem>>
    tpu.wait_dma2 semaphore(%arg19 : memref<!tpu.dma_semaphore, #tpu.memory_space<semaphore_mem>>) src(%dma_wait3A_498 : memref<4x4096xf32, #tpu.memory_space<vmem>>) dst(%dma_wait3A_494 : memref<4x4096xf32, #tpu.memory_space<hbm>>)
    %dma_start3A_499 = arith.constant 12 : i32
    %dma_start3A_500 = arith.constant 5 : i32
    %dma_start3A_501 = arith.constant 0 : i32
    %dma_start3A_502 = arith.constant 0 : i32
    %dma_start3A_503 = tpu.memref_slice %arg6[%dma_start3A_500, %dma_start3A_501, %dma_start3A_502] : memref<7x4x4096xf32, #tpu.memory_space<vmem>> -> memref<1x4x4096xf32, #tpu.memory_space<vmem>>
    %dma_start3A_504 = tpu.memref_squeeze %dma_start3A_503 : memref<1x4x4096xf32, #tpu.memory_space<vmem>> -> memref<4x4096xf32, #tpu.memory_space<vmem>>
    %dma_start3A_505 = arith.constant 0 : i32
    %dma_start3A_506 = tpu.memref_slice %arg5[%dma_start3A_499, %dma_start3A_505] : memref<16x4xi32, #tpu.memory_space<vmem>> -> memref<1x4xi32, #tpu.memory_space<vmem>>
    %dma_start3A_507 = tpu.memref_squeeze %dma_start3A_506 : memref<1x4xi32, #tpu.memory_space<vmem>> -> memref<4xi32, #tpu.memory_space<vmem>>
    %dma_start3A_508 = arith.constant 0 : i32
    %dma_start3A_509 = arith.constant 0 : i32
    %dma_start3A_510 = tpu.memref_slice %arg2[%dma_start3A_508, %dma_start3A_509] : memref<32128x4096xf32, #tpu.memory_space<hbm>> -> memref<32128x4096xf32, #tpu.memory_space<hbm>>
    tpu.enqueue_indirect_dma source(%dma_start3A_510 : memref<32128x4096xf32, #tpu.memory_space<hbm>>) target(%dma_start3A_504 : memref<4x4096xf32, #tpu.memory_space<vmem>>) offsets(%dma_start3A_507 : memref<4xi32, #tpu.memory_space<vmem>>) semaphore(%arg12 : memref<!tpu.dma_semaphore, #tpu.memory_space<semaphore_mem>>)
    %dma_wait3A_511 = arith.constant 8 : i32
    %dma_wait3A_512 = arith.constant 1 : i32
    %dma_wait3A_513 = arith.constant 0 : i32
    %dma_wait3A_514 = arith.constant 0 : i32
    %dma_wait3A_515 = tpu.memref_slice %arg6[%dma_wait3A_512, %dma_wait3A_513, %dma_wait3A_514] : memref<7x4x4096xf32, #tpu.memory_space<vmem>> -> memref<1x4x4096xf32, #tpu.memory_space<vmem>>
    %dma_wait3A_516 = tpu.memref_squeeze %dma_wait3A_515 : memref<1x4x4096xf32, #tpu.memory_space<vmem>> -> memref<4x4096xf32, #tpu.memory_space<vmem>>
    %dma_wait3A_517 = arith.constant 0 : i32
    %dma_wait3A_518 = tpu.memref_slice %arg5[%dma_wait3A_511, %dma_wait3A_517] : memref<16x4xi32, #tpu.memory_space<vmem>> -> memref<1x4xi32, #tpu.memory_space<vmem>>
    %dma_wait3A_519 = tpu.memref_squeeze %dma_wait3A_518 : memref<1x4xi32, #tpu.memory_space<vmem>> -> memref<4xi32, #tpu.memory_space<vmem>>
    %dma_wait3A_520 = arith.constant 0 : i32
    %dma_wait3A_521 = arith.constant 0 : i32
    %dma_wait3A_522 = tpu.memref_slice %arg2[%dma_wait3A_520, %dma_wait3A_521] : memref<32128x4096xf32, #tpu.memory_space<hbm>> -> memref<32128x4096xf32, #tpu.memory_space<hbm>>
    tpu.wait_indirect_dma semaphore(%arg8 : memref<!tpu.dma_semaphore, #tpu.memory_space<semaphore_mem>>) src(%dma_wait3A_522 : memref<32128x4096xf32, #tpu.memory_space<hbm>>) dst(%dma_wait3A_516 : memref<4x4096xf32, #tpu.memory_space<vmem>>)
    %add3A_523 = arith.constant 32 : i32
    %add3A_524 = arith.addi %mul3A_32, %add3A_523 : i32
    %dma_start3A_525 = arith.constant 1 : i32
    %dma_start3A_526 = arith.constant 0 : i32
    %dma_start3A_527 = arith.constant 0 : i32
    %dma_start3A_528 = tpu.memref_slice %arg6[%dma_start3A_525, %dma_start3A_526, %dma_start3A_527] : memref<7x4x4096xf32, #tpu.memory_space<vmem>> -> memref<1x4x4096xf32, #tpu.memory_space<vmem>>
    %dma_start3A_529 = tpu.memref_squeeze %dma_start3A_528 : memref<1x4x4096xf32, #tpu.memory_space<vmem>> -> memref<4x4096xf32, #tpu.memory_space<vmem>>
    %dma_start3A_530 = arith.constant 0 : i32
    %dma_start3A_531 = tpu.memref_slice %arg4[%select_n3A, %add3A_524, %dma_start3A_530] : memref<4x512x4096xf32, #tpu.memory_space<hbm>> -> memref<1x4x4096xf32, #tpu.memory_space<hbm>>
    %dma_start3A_532 = tpu.memref_squeeze %dma_start3A_531 : memref<1x4x4096xf32, #tpu.memory_space<hbm>> -> memref<4x4096xf32, #tpu.memory_space<hbm>>
    %dma_start3A_533 = arith.constant 0 : i32
    %dma_start3A_534 = tpu.memref_slice %arg4[%select_n3A, %add3A_524, %dma_start3A_533] : memref<4x512x4096xf32, #tpu.memory_space<hbm>> -> memref<1x4x4096xf32, #tpu.memory_space<hbm>>
    %dma_start3A_535 = tpu.memref_squeeze %dma_start3A_534 : memref<1x4x4096xf32, #tpu.memory_space<hbm>> -> memref<4x4096xf32, #tpu.memory_space<hbm>>
    %dma_start3A_536 = arith.constant 0 : i32
    %dma_start3A_537 = arith.constant 0 : i32
    %dma_start3A_538 = tpu.memref_slice %arg6[%dma_start3A_525, %dma_start3A_536, %dma_start3A_537] : memref<7x4x4096xf32, #tpu.memory_space<vmem>> -> memref<1x4x4096xf32, #tpu.memory_space<vmem>>
    %dma_start3A_539 = tpu.memref_squeeze %dma_start3A_538 : memref<1x4x4096xf32, #tpu.memory_space<vmem>> -> memref<4x4096xf32, #tpu.memory_space<vmem>>
    tpu.enqueue_dma source(%dma_start3A_539 : memref<4x4096xf32, #tpu.memory_space<vmem>>) target(%dma_start3A_535 : memref<4x4096xf32, #tpu.memory_space<hbm>>) target_semaphore(%arg15 : memref<!tpu.dma_semaphore, #tpu.memory_space<semaphore_mem>>)
    %dma_wait3A_540 = arith.constant 6 : i32
    %dma_wait3A_541 = arith.constant 0 : i32
    %dma_wait3A_542 = arith.constant 0 : i32
    %dma_wait3A_543 = tpu.memref_slice %arg6[%dma_wait3A_540, %dma_wait3A_541, %dma_wait3A_542] : memref<7x4x4096xf32, #tpu.memory_space<vmem>> -> memref<1x4x4096xf32, #tpu.memory_space<vmem>>
    %dma_wait3A_544 = tpu.memref_squeeze %dma_wait3A_543 : memref<1x4x4096xf32, #tpu.memory_space<vmem>> -> memref<4x4096xf32, #tpu.memory_space<vmem>>
    %dma_wait3A_545 = arith.constant 0 : i32
    %dma_wait3A_546 = tpu.memref_slice %arg4[%select_n3A, %add3A_412, %dma_wait3A_545] : memref<4x512x4096xf32, #tpu.memory_space<hbm>> -> memref<1x4x4096xf32, #tpu.memory_space<hbm>>
    %dma_wait3A_547 = tpu.memref_squeeze %dma_wait3A_546 : memref<1x4x4096xf32, #tpu.memory_space<hbm>> -> memref<4x4096xf32, #tpu.memory_space<hbm>>
    %dma_wait3A_548 = arith.constant 0 : i32
    %dma_wait3A_549 = tpu.memref_slice %arg4[%select_n3A, %add3A_412, %dma_wait3A_548] : memref<4x512x4096xf32, #tpu.memory_space<hbm>> -> memref<1x4x4096xf32, #tpu.memory_space<hbm>>
    %dma_wait3A_550 = tpu.memref_squeeze %dma_wait3A_549 : memref<1x4x4096xf32, #tpu.memory_space<hbm>> -> memref<4x4096xf32, #tpu.memory_space<hbm>>
    %dma_wait3A_551 = arith.constant 0 : i32
    %dma_wait3A_552 = arith.constant 0 : i32
    %dma_wait3A_553 = tpu.memref_slice %arg6[%dma_wait3A_540, %dma_wait3A_551, %dma_wait3A_552] : memref<7x4x4096xf32, #tpu.memory_space<vmem>> -> memref<1x4x4096xf32, #tpu.memory_space<vmem>>
    %dma_wait3A_554 = tpu.memref_squeeze %dma_wait3A_553 : memref<1x4x4096xf32, #tpu.memory_space<vmem>> -> memref<4x4096xf32, #tpu.memory_space<vmem>>
    tpu.wait_dma2 semaphore(%arg20 : memref<!tpu.dma_semaphore, #tpu.memory_space<semaphore_mem>>) src(%dma_wait3A_554 : memref<4x4096xf32, #tpu.memory_space<vmem>>) dst(%dma_wait3A_550 : memref<4x4096xf32, #tpu.memory_space<hbm>>)
    %dma_start3A_555 = arith.constant 13 : i32
    %dma_start3A_556 = arith.constant 6 : i32
    %dma_start3A_557 = arith.constant 0 : i32
    %dma_start3A_558 = arith.constant 0 : i32
    %dma_start3A_559 = tpu.memref_slice %arg6[%dma_start3A_556, %dma_start3A_557, %dma_start3A_558] : memref<7x4x4096xf32, #tpu.memory_space<vmem>> -> memref<1x4x4096xf32, #tpu.memory_space<vmem>>
    %dma_start3A_560 = tpu.memref_squeeze %dma_start3A_559 : memref<1x4x4096xf32, #tpu.memory_space<vmem>> -> memref<4x4096xf32, #tpu.memory_space<vmem>>
    %dma_start3A_561 = arith.constant 0 : i32
    %dma_start3A_562 = tpu.memref_slice %arg5[%dma_start3A_555, %dma_start3A_561] : memref<16x4xi32, #tpu.memory_space<vmem>> -> memref<1x4xi32, #tpu.memory_space<vmem>>
    %dma_start3A_563 = tpu.memref_squeeze %dma_start3A_562 : memref<1x4xi32, #tpu.memory_space<vmem>> -> memref<4xi32, #tpu.memory_space<vmem>>
    %dma_start3A_564 = arith.constant 0 : i32
    %dma_start3A_565 = arith.constant 0 : i32
    %dma_start3A_566 = tpu.memref_slice %arg2[%dma_start3A_564, %dma_start3A_565] : memref<32128x4096xf32, #tpu.memory_space<hbm>> -> memref<32128x4096xf32, #tpu.memory_space<hbm>>
    tpu.enqueue_indirect_dma source(%dma_start3A_566 : memref<32128x4096xf32, #tpu.memory_space<hbm>>) target(%dma_start3A_560 : memref<4x4096xf32, #tpu.memory_space<vmem>>) offsets(%dma_start3A_563 : memref<4xi32, #tpu.memory_space<vmem>>) semaphore(%arg13 : memref<!tpu.dma_semaphore, #tpu.memory_space<semaphore_mem>>)
    %dma_wait3A_567 = arith.constant 9 : i32
    %dma_wait3A_568 = arith.constant 2 : i32
    %dma_wait3A_569 = arith.constant 0 : i32
    %dma_wait3A_570 = arith.constant 0 : i32
    %dma_wait3A_571 = tpu.memref_slice %arg6[%dma_wait3A_568, %dma_wait3A_569, %dma_wait3A_570] : memref<7x4x4096xf32, #tpu.memory_space<vmem>> -> memref<1x4x4096xf32, #tpu.memory_space<vmem>>
    %dma_wait3A_572 = tpu.memref_squeeze %dma_wait3A_571 : memref<1x4x4096xf32, #tpu.memory_space<vmem>> -> memref<4x4096xf32, #tpu.memory_space<vmem>>
    %dma_wait3A_573 = arith.constant 0 : i32
    %dma_wait3A_574 = tpu.memref_slice %arg5[%dma_wait3A_567, %dma_wait3A_573] : memref<16x4xi32, #tpu.memory_space<vmem>> -> memref<1x4xi32, #tpu.memory_space<vmem>>
    %dma_wait3A_575 = tpu.memref_squeeze %dma_wait3A_574 : memref<1x4xi32, #tpu.memory_space<vmem>> -> memref<4xi32, #tpu.memory_space<vmem>>
    %dma_wait3A_576 = arith.constant 0 : i32
    %dma_wait3A_577 = arith.constant 0 : i32
    %dma_wait3A_578 = tpu.memref_slice %arg2[%dma_wait3A_576, %dma_wait3A_577] : memref<32128x4096xf32, #tpu.memory_space<hbm>> -> memref<32128x4096xf32, #tpu.memory_space<hbm>>
    tpu.wait_indirect_dma semaphore(%arg9 : memref<!tpu.dma_semaphore, #tpu.memory_space<semaphore_mem>>) src(%dma_wait3A_578 : memref<32128x4096xf32, #tpu.memory_space<hbm>>) dst(%dma_wait3A_572 : memref<4x4096xf32, #tpu.memory_space<vmem>>)
    %add3A_579 = arith.constant 36 : i32
    %add3A_580 = arith.addi %mul3A_32, %add3A_579 : i32
    %dma_start3A_581 = arith.constant 2 : i32
    %dma_start3A_582 = arith.constant 0 : i32
    %dma_start3A_583 = arith.constant 0 : i32
    %dma_start3A_584 = tpu.memref_slice %arg6[%dma_start3A_581, %dma_start3A_582, %dma_start3A_583] : memref<7x4x4096xf32, #tpu.memory_space<vmem>> -> memref<1x4x4096xf32, #tpu.memory_space<vmem>>
    %dma_start3A_585 = tpu.memref_squeeze %dma_start3A_584 : memref<1x4x4096xf32, #tpu.memory_space<vmem>> -> memref<4x4096xf32, #tpu.memory_space<vmem>>
    %dma_start3A_586 = arith.constant 0 : i32
    %dma_start3A_587 = tpu.memref_slice %arg4[%select_n3A, %add3A_580, %dma_start3A_586] : memref<4x512x4096xf32, #tpu.memory_space<hbm>> -> memref<1x4x4096xf32, #tpu.memory_space<hbm>>
    %dma_start3A_588 = tpu.memref_squeeze %dma_start3A_587 : memref<1x4x4096xf32, #tpu.memory_space<hbm>> -> memref<4x4096xf32, #tpu.memory_space<hbm>>
    %dma_start3A_589 = arith.constant 0 : i32
    %dma_start3A_590 = tpu.memref_slice %arg4[%select_n3A, %add3A_580, %dma_start3A_589] : memref<4x512x4096xf32, #tpu.memory_space<hbm>> -> memref<1x4x4096xf32, #tpu.memory_space<hbm>>
    %dma_start3A_591 = tpu.memref_squeeze %dma_start3A_590 : memref<1x4x4096xf32, #tpu.memory_space<hbm>> -> memref<4x4096xf32, #tpu.memory_space<hbm>>
    %dma_start3A_592 = arith.constant 0 : i32
    %dma_start3A_593 = arith.constant 0 : i32
    %dma_start3A_594 = tpu.memref_slice %arg6[%dma_start3A_581, %dma_start3A_592, %dma_start3A_593] : memref<7x4x4096xf32, #tpu.memory_space<vmem>> -> memref<1x4x4096xf32, #tpu.memory_space<vmem>>
    %dma_start3A_595 = tpu.memref_squeeze %dma_start3A_594 : memref<1x4x4096xf32, #tpu.memory_space<vmem>> -> memref<4x4096xf32, #tpu.memory_space<vmem>>
    tpu.enqueue_dma source(%dma_start3A_595 : memref<4x4096xf32, #tpu.memory_space<vmem>>) target(%dma_start3A_591 : memref<4x4096xf32, #tpu.memory_space<hbm>>) target_semaphore(%arg16 : memref<!tpu.dma_semaphore, #tpu.memory_space<semaphore_mem>>)
    %dma_wait3A_596 = arith.constant 0 : i32
    %dma_wait3A_597 = arith.constant 0 : i32
    %dma_wait3A_598 = arith.constant 0 : i32
    %dma_wait3A_599 = tpu.memref_slice %arg6[%dma_wait3A_596, %dma_wait3A_597, %dma_wait3A_598] : memref<7x4x4096xf32, #tpu.memory_space<vmem>> -> memref<1x4x4096xf32, #tpu.memory_space<vmem>>
    %dma_wait3A_600 = tpu.memref_squeeze %dma_wait3A_599 : memref<1x4x4096xf32, #tpu.memory_space<vmem>> -> memref<4x4096xf32, #tpu.memory_space<vmem>>
    %dma_wait3A_601 = arith.constant 0 : i32
    %dma_wait3A_602 = tpu.memref_slice %arg4[%select_n3A, %add3A_468, %dma_wait3A_601] : memref<4x512x4096xf32, #tpu.memory_space<hbm>> -> memref<1x4x4096xf32, #tpu.memory_space<hbm>>
    %dma_wait3A_603 = tpu.memref_squeeze %dma_wait3A_602 : memref<1x4x4096xf32, #tpu.memory_space<hbm>> -> memref<4x4096xf32, #tpu.memory_space<hbm>>
    %dma_wait3A_604 = arith.constant 0 : i32
    %dma_wait3A_605 = tpu.memref_slice %arg4[%select_n3A, %add3A_468, %dma_wait3A_604] : memref<4x512x4096xf32, #tpu.memory_space<hbm>> -> memref<1x4x4096xf32, #tpu.memory_space<hbm>>
    %dma_wait3A_606 = tpu.memref_squeeze %dma_wait3A_605 : memref<1x4x4096xf32, #tpu.memory_space<hbm>> -> memref<4x4096xf32, #tpu.memory_space<hbm>>
    %dma_wait3A_607 = arith.constant 0 : i32
    %dma_wait3A_608 = arith.constant 0 : i32
    %dma_wait3A_609 = tpu.memref_slice %arg6[%dma_wait3A_596, %dma_wait3A_607, %dma_wait3A_608] : memref<7x4x4096xf32, #tpu.memory_space<vmem>> -> memref<1x4x4096xf32, #tpu.memory_space<vmem>>
    %dma_wait3A_610 = tpu.memref_squeeze %dma_wait3A_609 : memref<1x4x4096xf32, #tpu.memory_space<vmem>> -> memref<4x4096xf32, #tpu.memory_space<vmem>>
    tpu.wait_dma2 semaphore(%arg14 : memref<!tpu.dma_semaphore, #tpu.memory_space<semaphore_mem>>) src(%dma_wait3A_610 : memref<4x4096xf32, #tpu.memory_space<vmem>>) dst(%dma_wait3A_606 : memref<4x4096xf32, #tpu.memory_space<hbm>>)
    %dma_start3A_611 = arith.constant 14 : i32
    %dma_start3A_612 = arith.constant 0 : i32
    %dma_start3A_613 = arith.constant 0 : i32
    %dma_start3A_614 = arith.constant 0 : i32
    %dma_start3A_615 = tpu.memref_slice %arg6[%dma_start3A_612, %dma_start3A_613, %dma_start3A_614] : memref<7x4x4096xf32, #tpu.memory_space<vmem>> -> memref<1x4x4096xf32, #tpu.memory_space<vmem>>
    %dma_start3A_616 = tpu.memref_squeeze %dma_start3A_615 : memref<1x4x4096xf32, #tpu.memory_space<vmem>> -> memref<4x4096xf32, #tpu.memory_space<vmem>>
    %dma_start3A_617 = arith.constant 0 : i32
    %dma_start3A_618 = tpu.memref_slice %arg5[%dma_start3A_611, %dma_start3A_617] : memref<16x4xi32, #tpu.memory_space<vmem>> -> memref<1x4xi32, #tpu.memory_space<vmem>>
    %dma_start3A_619 = tpu.memref_squeeze %dma_start3A_618 : memref<1x4xi32, #tpu.memory_space<vmem>> -> memref<4xi32, #tpu.memory_space<vmem>>
    %dma_start3A_620 = arith.constant 0 : i32
    %dma_start3A_621 = arith.constant 0 : i32
    %dma_start3A_622 = tpu.memref_slice %arg2[%dma_start3A_620, %dma_start3A_621] : memref<32128x4096xf32, #tpu.memory_space<hbm>> -> memref<32128x4096xf32, #tpu.memory_space<hbm>>
    tpu.enqueue_indirect_dma source(%dma_start3A_622 : memref<32128x4096xf32, #tpu.memory_space<hbm>>) target(%dma_start3A_616 : memref<4x4096xf32, #tpu.memory_space<vmem>>) offsets(%dma_start3A_619 : memref<4xi32, #tpu.memory_space<vmem>>) semaphore(%arg7 : memref<!tpu.dma_semaphore, #tpu.memory_space<semaphore_mem>>)
    %dma_wait3A_623 = arith.constant 10 : i32
    %dma_wait3A_624 = arith.constant 3 : i32
    %dma_wait3A_625 = arith.constant 0 : i32
    %dma_wait3A_626 = arith.constant 0 : i32
    %dma_wait3A_627 = tpu.memref_slice %arg6[%dma_wait3A_624, %dma_wait3A_625, %dma_wait3A_626] : memref<7x4x4096xf32, #tpu.memory_space<vmem>> -> memref<1x4x4096xf32, #tpu.memory_space<vmem>>
    %dma_wait3A_628 = tpu.memref_squeeze %dma_wait3A_627 : memref<1x4x4096xf32, #tpu.memory_space<vmem>> -> memref<4x4096xf32, #tpu.memory_space<vmem>>
    %dma_wait3A_629 = arith.constant 0 : i32
    %dma_wait3A_630 = tpu.memref_slice %arg5[%dma_wait3A_623, %dma_wait3A_629] : memref<16x4xi32, #tpu.memory_space<vmem>> -> memref<1x4xi32, #tpu.memory_space<vmem>>
    %dma_wait3A_631 = tpu.memref_squeeze %dma_wait3A_630 : memref<1x4xi32, #tpu.memory_space<vmem>> -> memref<4xi32, #tpu.memory_space<vmem>>
    %dma_wait3A_632 = arith.constant 0 : i32
    %dma_wait3A_633 = arith.constant 0 : i32
    %dma_wait3A_634 = tpu.memref_slice %arg2[%dma_wait3A_632, %dma_wait3A_633] : memref<32128x4096xf32, #tpu.memory_space<hbm>> -> memref<32128x4096xf32, #tpu.memory_space<hbm>>
    tpu.wait_indirect_dma semaphore(%arg10 : memref<!tpu.dma_semaphore, #tpu.memory_space<semaphore_mem>>) src(%dma_wait3A_634 : memref<32128x4096xf32, #tpu.memory_space<hbm>>) dst(%dma_wait3A_628 : memref<4x4096xf32, #tpu.memory_space<vmem>>)
    %add3A_635 = arith.constant 40 : i32
    %add3A_636 = arith.addi %mul3A_32, %add3A_635 : i32
    %dma_start3A_637 = arith.constant 3 : i32
    %dma_start3A_638 = arith.constant 0 : i32
    %dma_start3A_639 = arith.constant 0 : i32
    %dma_start3A_640 = tpu.memref_slice %arg6[%dma_start3A_637, %dma_start3A_638, %dma_start3A_639] : memref<7x4x4096xf32, #tpu.memory_space<vmem>> -> memref<1x4x4096xf32, #tpu.memory_space<vmem>>
    %dma_start3A_641 = tpu.memref_squeeze %dma_start3A_640 : memref<1x4x4096xf32, #tpu.memory_space<vmem>> -> memref<4x4096xf32, #tpu.memory_space<vmem>>
    %dma_start3A_642 = arith.constant 0 : i32
    %dma_start3A_643 = tpu.memref_slice %arg4[%select_n3A, %add3A_636, %dma_start3A_642] : memref<4x512x4096xf32, #tpu.memory_space<hbm>> -> memref<1x4x4096xf32, #tpu.memory_space<hbm>>
    %dma_start3A_644 = tpu.memref_squeeze %dma_start3A_643 : memref<1x4x4096xf32, #tpu.memory_space<hbm>> -> memref<4x4096xf32, #tpu.memory_space<hbm>>
    %dma_start3A_645 = arith.constant 0 : i32
    %dma_start3A_646 = tpu.memref_slice %arg4[%select_n3A, %add3A_636, %dma_start3A_645] : memref<4x512x4096xf32, #tpu.memory_space<hbm>> -> memref<1x4x4096xf32, #tpu.memory_space<hbm>>
    %dma_start3A_647 = tpu.memref_squeeze %dma_start3A_646 : memref<1x4x4096xf32, #tpu.memory_space<hbm>> -> memref<4x4096xf32, #tpu.memory_space<hbm>>
    %dma_start3A_648 = arith.constant 0 : i32
    %dma_start3A_649 = arith.constant 0 : i32
    %dma_start3A_650 = tpu.memref_slice %arg6[%dma_start3A_637, %dma_start3A_648, %dma_start3A_649] : memref<7x4x4096xf32, #tpu.memory_space<vmem>> -> memref<1x4x4096xf32, #tpu.memory_space<vmem>>
    %dma_start3A_651 = tpu.memref_squeeze %dma_start3A_650 : memref<1x4x4096xf32, #tpu.memory_space<vmem>> -> memref<4x4096xf32, #tpu.memory_space<vmem>>
    tpu.enqueue_dma source(%dma_start3A_651 : memref<4x4096xf32, #tpu.memory_space<vmem>>) target(%dma_start3A_647 : memref<4x4096xf32, #tpu.memory_space<hbm>>) target_semaphore(%arg17 : memref<!tpu.dma_semaphore, #tpu.memory_space<semaphore_mem>>)
    %dma_wait3A_652 = arith.constant 1 : i32
    %dma_wait3A_653 = arith.constant 0 : i32
    %dma_wait3A_654 = arith.constant 0 : i32
    %dma_wait3A_655 = tpu.memref_slice %arg6[%dma_wait3A_652, %dma_wait3A_653, %dma_wait3A_654] : memref<7x4x4096xf32, #tpu.memory_space<vmem>> -> memref<1x4x4096xf32, #tpu.memory_space<vmem>>
    %dma_wait3A_656 = tpu.memref_squeeze %dma_wait3A_655 : memref<1x4x4096xf32, #tpu.memory_space<vmem>> -> memref<4x4096xf32, #tpu.memory_space<vmem>>
    %dma_wait3A_657 = arith.constant 0 : i32
    %dma_wait3A_658 = tpu.memref_slice %arg4[%select_n3A, %add3A_524, %dma_wait3A_657] : memref<4x512x4096xf32, #tpu.memory_space<hbm>> -> memref<1x4x4096xf32, #tpu.memory_space<hbm>>
    %dma_wait3A_659 = tpu.memref_squeeze %dma_wait3A_658 : memref<1x4x4096xf32, #tpu.memory_space<hbm>> -> memref<4x4096xf32, #tpu.memory_space<hbm>>
    %dma_wait3A_660 = arith.constant 0 : i32
    %dma_wait3A_661 = tpu.memref_slice %arg4[%select_n3A, %add3A_524, %dma_wait3A_660] : memref<4x512x4096xf32, #tpu.memory_space<hbm>> -> memref<1x4x4096xf32, #tpu.memory_space<hbm>>
    %dma_wait3A_662 = tpu.memref_squeeze %dma_wait3A_661 : memref<1x4x4096xf32, #tpu.memory_space<hbm>> -> memref<4x4096xf32, #tpu.memory_space<hbm>>
    %dma_wait3A_663 = arith.constant 0 : i32
    %dma_wait3A_664 = arith.constant 0 : i32
    %dma_wait3A_665 = tpu.memref_slice %arg6[%dma_wait3A_652, %dma_wait3A_663, %dma_wait3A_664] : memref<7x4x4096xf32, #tpu.memory_space<vmem>> -> memref<1x4x4096xf32, #tpu.memory_space<vmem>>
    %dma_wait3A_666 = tpu.memref_squeeze %dma_wait3A_665 : memref<1x4x4096xf32, #tpu.memory_space<vmem>> -> memref<4x4096xf32, #tpu.memory_space<vmem>>
    tpu.wait_dma2 semaphore(%arg15 : memref<!tpu.dma_semaphore, #tpu.memory_space<semaphore_mem>>) src(%dma_wait3A_666 : memref<4x4096xf32, #tpu.memory_space<vmem>>) dst(%dma_wait3A_662 : memref<4x4096xf32, #tpu.memory_space<hbm>>)
    %dma_start3A_667 = arith.constant 15 : i32
    %dma_start3A_668 = arith.constant 1 : i32
    %dma_start3A_669 = arith.constant 0 : i32
    %dma_start3A_670 = arith.constant 0 : i32
    %dma_start3A_671 = tpu.memref_slice %arg6[%dma_start3A_668, %dma_start3A_669, %dma_start3A_670] : memref<7x4x4096xf32, #tpu.memory_space<vmem>> -> memref<1x4x4096xf32, #tpu.memory_space<vmem>>
    %dma_start3A_672 = tpu.memref_squeeze %dma_start3A_671 : memref<1x4x4096xf32, #tpu.memory_space<vmem>> -> memref<4x4096xf32, #tpu.memory_space<vmem>>
    %dma_start3A_673 = arith.constant 0 : i32
    %dma_start3A_674 = tpu.memref_slice %arg5[%dma_start3A_667, %dma_start3A_673] : memref<16x4xi32, #tpu.memory_space<vmem>> -> memref<1x4xi32, #tpu.memory_space<vmem>>
    %dma_start3A_675 = tpu.memref_squeeze %dma_start3A_674 : memref<1x4xi32, #tpu.memory_space<vmem>> -> memref<4xi32, #tpu.memory_space<vmem>>
    %dma_start3A_676 = arith.constant 0 : i32
    %dma_start3A_677 = arith.constant 0 : i32
    %dma_start3A_678 = tpu.memref_slice %arg2[%dma_start3A_676, %dma_start3A_677] : memref<32128x4096xf32, #tpu.memory_space<hbm>> -> memref<32128x4096xf32, #tpu.memory_space<hbm>>
    tpu.enqueue_indirect_dma source(%dma_start3A_678 : memref<32128x4096xf32, #tpu.memory_space<hbm>>) target(%dma_start3A_672 : memref<4x4096xf32, #tpu.memory_space<vmem>>) offsets(%dma_start3A_675 : memref<4xi32, #tpu.memory_space<vmem>>) semaphore(%arg8 : memref<!tpu.dma_semaphore, #tpu.memory_space<semaphore_mem>>)
    %dma_wait3A_679 = arith.constant 11 : i32
    %dma_wait3A_680 = arith.constant 4 : i32
    %dma_wait3A_681 = arith.constant 0 : i32
    %dma_wait3A_682 = arith.constant 0 : i32
    %dma_wait3A_683 = tpu.memref_slice %arg6[%dma_wait3A_680, %dma_wait3A_681, %dma_wait3A_682] : memref<7x4x4096xf32, #tpu.memory_space<vmem>> -> memref<1x4x4096xf32, #tpu.memory_space<vmem>>
    %dma_wait3A_684 = tpu.memref_squeeze %dma_wait3A_683 : memref<1x4x4096xf32, #tpu.memory_space<vmem>> -> memref<4x4096xf32, #tpu.memory_space<vmem>>
    %dma_wait3A_685 = arith.constant 0 : i32
    %dma_wait3A_686 = tpu.memref_slice %arg5[%dma_wait3A_679, %dma_wait3A_685] : memref<16x4xi32, #tpu.memory_space<vmem>> -> memref<1x4xi32, #tpu.memory_space<vmem>>
    %dma_wait3A_687 = tpu.memref_squeeze %dma_wait3A_686 : memref<1x4xi32, #tpu.memory_space<vmem>> -> memref<4xi32, #tpu.memory_space<vmem>>
    %dma_wait3A_688 = arith.constant 0 : i32
    %dma_wait3A_689 = arith.constant 0 : i32
    %dma_wait3A_690 = tpu.memref_slice %arg2[%dma_wait3A_688, %dma_wait3A_689] : memref<32128x4096xf32, #tpu.memory_space<hbm>> -> memref<32128x4096xf32, #tpu.memory_space<hbm>>
    tpu.wait_indirect_dma semaphore(%arg11 : memref<!tpu.dma_semaphore, #tpu.memory_space<semaphore_mem>>) src(%dma_wait3A_690 : memref<32128x4096xf32, #tpu.memory_space<hbm>>) dst(%dma_wait3A_684 : memref<4x4096xf32, #tpu.memory_space<vmem>>)
    %add3A_691 = arith.constant 44 : i32
    %add3A_692 = arith.addi %mul3A_32, %add3A_691 : i32
    %dma_start3A_693 = arith.constant 4 : i32
    %dma_start3A_694 = arith.constant 0 : i32
    %dma_start3A_695 = arith.constant 0 : i32
    %dma_start3A_696 = tpu.memref_slice %arg6[%dma_start3A_693, %dma_start3A_694, %dma_start3A_695] : memref<7x4x4096xf32, #tpu.memory_space<vmem>> -> memref<1x4x4096xf32, #tpu.memory_space<vmem>>
    %dma_start3A_697 = tpu.memref_squeeze %dma_start3A_696 : memref<1x4x4096xf32, #tpu.memory_space<vmem>> -> memref<4x4096xf32, #tpu.memory_space<vmem>>
    %dma_start3A_698 = arith.constant 0 : i32
    %dma_start3A_699 = tpu.memref_slice %arg4[%select_n3A, %add3A_692, %dma_start3A_698] : memref<4x512x4096xf32, #tpu.memory_space<hbm>> -> memref<1x4x4096xf32, #tpu.memory_space<hbm>>
    %dma_start3A_700 = tpu.memref_squeeze %dma_start3A_699 : memref<1x4x4096xf32, #tpu.memory_space<hbm>> -> memref<4x4096xf32, #tpu.memory_space<hbm>>
    %dma_start3A_701 = arith.constant 0 : i32
    %dma_start3A_702 = tpu.memref_slice %arg4[%select_n3A, %add3A_692, %dma_start3A_701] : memref<4x512x4096xf32, #tpu.memory_space<hbm>> -> memref<1x4x4096xf32, #tpu.memory_space<hbm>>
    %dma_start3A_703 = tpu.memref_squeeze %dma_start3A_702 : memref<1x4x4096xf32, #tpu.memory_space<hbm>> -> memref<4x4096xf32, #tpu.memory_space<hbm>>
    %dma_start3A_704 = arith.constant 0 : i32
    %dma_start3A_705 = arith.constant 0 : i32
    %dma_start3A_706 = tpu.memref_slice %arg6[%dma_start3A_693, %dma_start3A_704, %dma_start3A_705] : memref<7x4x4096xf32, #tpu.memory_space<vmem>> -> memref<1x4x4096xf32, #tpu.memory_space<vmem>>
    %dma_start3A_707 = tpu.memref_squeeze %dma_start3A_706 : memref<1x4x4096xf32, #tpu.memory_space<vmem>> -> memref<4x4096xf32, #tpu.memory_space<vmem>>
    tpu.enqueue_dma source(%dma_start3A_707 : memref<4x4096xf32, #tpu.memory_space<vmem>>) target(%dma_start3A_703 : memref<4x4096xf32, #tpu.memory_space<hbm>>) target_semaphore(%arg18 : memref<!tpu.dma_semaphore, #tpu.memory_space<semaphore_mem>>)
    %dma_wait3A_708 = arith.constant 12 : i32
    %dma_wait3A_709 = arith.constant 5 : i32
    %dma_wait3A_710 = arith.constant 0 : i32
    %dma_wait3A_711 = arith.constant 0 : i32
    %dma_wait3A_712 = tpu.memref_slice %arg6[%dma_wait3A_709, %dma_wait3A_710, %dma_wait3A_711] : memref<7x4x4096xf32, #tpu.memory_space<vmem>> -> memref<1x4x4096xf32, #tpu.memory_space<vmem>>
    %dma_wait3A_713 = tpu.memref_squeeze %dma_wait3A_712 : memref<1x4x4096xf32, #tpu.memory_space<vmem>> -> memref<4x4096xf32, #tpu.memory_space<vmem>>
    %dma_wait3A_714 = arith.constant 0 : i32
    %dma_wait3A_715 = tpu.memref_slice %arg5[%dma_wait3A_708, %dma_wait3A_714] : memref<16x4xi32, #tpu.memory_space<vmem>> -> memref<1x4xi32, #tpu.memory_space<vmem>>
    %dma_wait3A_716 = tpu.memref_squeeze %dma_wait3A_715 : memref<1x4xi32, #tpu.memory_space<vmem>> -> memref<4xi32, #tpu.memory_space<vmem>>
    %dma_wait3A_717 = arith.constant 0 : i32
    %dma_wait3A_718 = arith.constant 0 : i32
    %dma_wait3A_719 = tpu.memref_slice %arg2[%dma_wait3A_717, %dma_wait3A_718] : memref<32128x4096xf32, #tpu.memory_space<hbm>> -> memref<32128x4096xf32, #tpu.memory_space<hbm>>
    tpu.wait_indirect_dma semaphore(%arg12 : memref<!tpu.dma_semaphore, #tpu.memory_space<semaphore_mem>>) src(%dma_wait3A_719 : memref<32128x4096xf32, #tpu.memory_space<hbm>>) dst(%dma_wait3A_713 : memref<4x4096xf32, #tpu.memory_space<vmem>>)
    %add3A_720 = arith.constant 48 : i32
    %add3A_721 = arith.addi %mul3A_32, %add3A_720 : i32
    %dma_start3A_722 = arith.constant 5 : i32
    %dma_start3A_723 = arith.constant 0 : i32
    %dma_start3A_724 = arith.constant 0 : i32
    %dma_start3A_725 = tpu.memref_slice %arg6[%dma_start3A_722, %dma_start3A_723, %dma_start3A_724] : memref<7x4x4096xf32, #tpu.memory_space<vmem>> -> memref<1x4x4096xf32, #tpu.memory_space<vmem>>
    %dma_start3A_726 = tpu.memref_squeeze %dma_start3A_725 : memref<1x4x4096xf32, #tpu.memory_space<vmem>> -> memref<4x4096xf32, #tpu.memory_space<vmem>>
    %dma_start3A_727 = arith.constant 0 : i32
    %dma_start3A_728 = tpu.memref_slice %arg4[%select_n3A, %add3A_721, %dma_start3A_727] : memref<4x512x4096xf32, #tpu.memory_space<hbm>> -> memref<1x4x4096xf32, #tpu.memory_space<hbm>>
    %dma_start3A_729 = tpu.memref_squeeze %dma_start3A_728 : memref<1x4x4096xf32, #tpu.memory_space<hbm>> -> memref<4x4096xf32, #tpu.memory_space<hbm>>
    %dma_start3A_730 = arith.constant 0 : i32
    %dma_start3A_731 = tpu.memref_slice %arg4[%select_n3A, %add3A_721, %dma_start3A_730] : memref<4x512x4096xf32, #tpu.memory_space<hbm>> -> memref<1x4x4096xf32, #tpu.memory_space<hbm>>
    %dma_start3A_732 = tpu.memref_squeeze %dma_start3A_731 : memref<1x4x4096xf32, #tpu.memory_space<hbm>> -> memref<4x4096xf32, #tpu.memory_space<hbm>>
    %dma_start3A_733 = arith.constant 0 : i32
    %dma_start3A_734 = arith.constant 0 : i32
    %dma_start3A_735 = tpu.memref_slice %arg6[%dma_start3A_722, %dma_start3A_733, %dma_start3A_734] : memref<7x4x4096xf32, #tpu.memory_space<vmem>> -> memref<1x4x4096xf32, #tpu.memory_space<vmem>>
    %dma_start3A_736 = tpu.memref_squeeze %dma_start3A_735 : memref<1x4x4096xf32, #tpu.memory_space<vmem>> -> memref<4x4096xf32, #tpu.memory_space<vmem>>
    tpu.enqueue_dma source(%dma_start3A_736 : memref<4x4096xf32, #tpu.memory_space<vmem>>) target(%dma_start3A_732 : memref<4x4096xf32, #tpu.memory_space<hbm>>) target_semaphore(%arg19 : memref<!tpu.dma_semaphore, #tpu.memory_space<semaphore_mem>>)
    %dma_wait3A_737 = arith.constant 13 : i32
    %dma_wait3A_738 = arith.constant 6 : i32
    %dma_wait3A_739 = arith.constant 0 : i32
    %dma_wait3A_740 = arith.constant 0 : i32
    %dma_wait3A_741 = tpu.memref_slice %arg6[%dma_wait3A_738, %dma_wait3A_739, %dma_wait3A_740] : memref<7x4x4096xf32, #tpu.memory_space<vmem>> -> memref<1x4x4096xf32, #tpu.memory_space<vmem>>
    %dma_wait3A_742 = tpu.memref_squeeze %dma_wait3A_741 : memref<1x4x4096xf32, #tpu.memory_space<vmem>> -> memref<4x4096xf32, #tpu.memory_space<vmem>>
    %dma_wait3A_743 = arith.constant 0 : i32
    %dma_wait3A_744 = tpu.memref_slice %arg5[%dma_wait3A_737, %dma_wait3A_743] : memref<16x4xi32, #tpu.memory_space<vmem>> -> memref<1x4xi32, #tpu.memory_space<vmem>>
    %dma_wait3A_745 = tpu.memref_squeeze %dma_wait3A_744 : memref<1x4xi32, #tpu.memory_space<vmem>> -> memref<4xi32, #tpu.memory_space<vmem>>
    %dma_wait3A_746 = arith.constant 0 : i32
    %dma_wait3A_747 = arith.constant 0 : i32
    %dma_wait3A_748 = tpu.memref_slice %arg2[%dma_wait3A_746, %dma_wait3A_747] : memref<32128x4096xf32, #tpu.memory_space<hbm>> -> memref<32128x4096xf32, #tpu.memory_space<hbm>>
    tpu.wait_indirect_dma semaphore(%arg13 : memref<!tpu.dma_semaphore, #tpu.memory_space<semaphore_mem>>) src(%dma_wait3A_748 : memref<32128x4096xf32, #tpu.memory_space<hbm>>) dst(%dma_wait3A_742 : memref<4x4096xf32, #tpu.memory_space<vmem>>)
    %add3A_749 = arith.constant 52 : i32
    %add3A_750 = arith.addi %mul3A_32, %add3A_749 : i32
    %dma_start3A_751 = arith.constant 6 : i32
    %dma_start3A_752 = arith.constant 0 : i32
    %dma_start3A_753 = arith.constant 0 : i32
    %dma_start3A_754 = tpu.memref_slice %arg6[%dma_start3A_751, %dma_start3A_752, %dma_start3A_753] : memref<7x4x4096xf32, #tpu.memory_space<vmem>> -> memref<1x4x4096xf32, #tpu.memory_space<vmem>>
    %dma_start3A_755 = tpu.memref_squeeze %dma_start3A_754 : memref<1x4x4096xf32, #tpu.memory_space<vmem>> -> memref<4x4096xf32, #tpu.memory_space<vmem>>
    %dma_start3A_756 = arith.constant 0 : i32
    %dma_start3A_757 = tpu.memref_slice %arg4[%select_n3A, %add3A_750, %dma_start3A_756] : memref<4x512x4096xf32, #tpu.memory_space<hbm>> -> memref<1x4x4096xf32, #tpu.memory_space<hbm>>
    %dma_start3A_758 = tpu.memref_squeeze %dma_start3A_757 : memref<1x4x4096xf32, #tpu.memory_space<hbm>> -> memref<4x4096xf32, #tpu.memory_space<hbm>>
    %dma_start3A_759 = arith.constant 0 : i32
    %dma_start3A_760 = tpu.memref_slice %arg4[%select_n3A, %add3A_750, %dma_start3A_759] : memref<4x512x4096xf32, #tpu.memory_space<hbm>> -> memref<1x4x4096xf32, #tpu.memory_space<hbm>>
    %dma_start3A_761 = tpu.memref_squeeze %dma_start3A_760 : memref<1x4x4096xf32, #tpu.memory_space<hbm>> -> memref<4x4096xf32, #tpu.memory_space<hbm>>
    %dma_start3A_762 = arith.constant 0 : i32
    %dma_start3A_763 = arith.constant 0 : i32
    %dma_start3A_764 = tpu.memref_slice %arg6[%dma_start3A_751, %dma_start3A_762, %dma_start3A_763] : memref<7x4x4096xf32, #tpu.memory_space<vmem>> -> memref<1x4x4096xf32, #tpu.memory_space<vmem>>
    %dma_start3A_765 = tpu.memref_squeeze %dma_start3A_764 : memref<1x4x4096xf32, #tpu.memory_space<vmem>> -> memref<4x4096xf32, #tpu.memory_space<vmem>>
    tpu.enqueue_dma source(%dma_start3A_765 : memref<4x4096xf32, #tpu.memory_space<vmem>>) target(%dma_start3A_761 : memref<4x4096xf32, #tpu.memory_space<hbm>>) target_semaphore(%arg20 : memref<!tpu.dma_semaphore, #tpu.memory_space<semaphore_mem>>)
    %dma_wait3A_766 = arith.constant 14 : i32
    %dma_wait3A_767 = arith.constant 0 : i32
    %dma_wait3A_768 = arith.constant 0 : i32
    %dma_wait3A_769 = arith.constant 0 : i32
    %dma_wait3A_770 = tpu.memref_slice %arg6[%dma_wait3A_767, %dma_wait3A_768, %dma_wait3A_769] : memref<7x4x4096xf32, #tpu.memory_space<vmem>> -> memref<1x4x4096xf32, #tpu.memory_space<vmem>>
    %dma_wait3A_771 = tpu.memref_squeeze %dma_wait3A_770 : memref<1x4x4096xf32, #tpu.memory_space<vmem>> -> memref<4x4096xf32, #tpu.memory_space<vmem>>
    %dma_wait3A_772 = arith.constant 0 : i32
    %dma_wait3A_773 = tpu.memref_slice %arg5[%dma_wait3A_766, %dma_wait3A_772] : memref<16x4xi32, #tpu.memory_space<vmem>> -> memref<1x4xi32, #tpu.memory_space<vmem>>
    %dma_wait3A_774 = tpu.memref_squeeze %dma_wait3A_773 : memref<1x4xi32, #tpu.memory_space<vmem>> -> memref<4xi32, #tpu.memory_space<vmem>>
    %dma_wait3A_775 = arith.constant 0 : i32
    %dma_wait3A_776 = arith.constant 0 : i32
    %dma_wait3A_777 = tpu.memref_slice %arg2[%dma_wait3A_775, %dma_wait3A_776] : memref<32128x4096xf32, #tpu.memory_space<hbm>> -> memref<32128x4096xf32, #tpu.memory_space<hbm>>
    tpu.wait_indirect_dma semaphore(%arg7 : memref<!tpu.dma_semaphore, #tpu.memory_space<semaphore_mem>>) src(%dma_wait3A_777 : memref<32128x4096xf32, #tpu.memory_space<hbm>>) dst(%dma_wait3A_771 : memref<4x4096xf32, #tpu.memory_space<vmem>>)
    %add3A_778 = arith.constant 56 : i32
    %add3A_779 = arith.addi %mul3A_32, %add3A_778 : i32
    %dma_start3A_780 = arith.constant 0 : i32
    %dma_start3A_781 = arith.constant 0 : i32
    %dma_start3A_782 = arith.constant 0 : i32
    %dma_start3A_783 = tpu.memref_slice %arg6[%dma_start3A_780, %dma_start3A_781, %dma_start3A_782] : memref<7x4x4096xf32, #tpu.memory_space<vmem>> -> memref<1x4x4096xf32, #tpu.memory_space<vmem>>
    %dma_start3A_784 = tpu.memref_squeeze %dma_start3A_783 : memref<1x4x4096xf32, #tpu.memory_space<vmem>> -> memref<4x4096xf32, #tpu.memory_space<vmem>>
    %dma_start3A_785 = arith.constant 0 : i32
    %dma_start3A_786 = tpu.memref_slice %arg4[%select_n3A, %add3A_779, %dma_start3A_785] : memref<4x512x4096xf32, #tpu.memory_space<hbm>> -> memref<1x4x4096xf32, #tpu.memory_space<hbm>>
    %dma_start3A_787 = tpu.memref_squeeze %dma_start3A_786 : memref<1x4x4096xf32, #tpu.memory_space<hbm>> -> memref<4x4096xf32, #tpu.memory_space<hbm>>
    %dma_start3A_788 = arith.constant 0 : i32
    %dma_start3A_789 = tpu.memref_slice %arg4[%select_n3A, %add3A_779, %dma_start3A_788] : memref<4x512x4096xf32, #tpu.memory_space<hbm>> -> memref<1x4x4096xf32, #tpu.memory_space<hbm>>
    %dma_start3A_790 = tpu.memref_squeeze %dma_start3A_789 : memref<1x4x4096xf32, #tpu.memory_space<hbm>> -> memref<4x4096xf32, #tpu.memory_space<hbm>>
    %dma_start3A_791 = arith.constant 0 : i32
    %dma_start3A_792 = arith.constant 0 : i32
    %dma_start3A_793 = tpu.memref_slice %arg6[%dma_start3A_780, %dma_start3A_791, %dma_start3A_792] : memref<7x4x4096xf32, #tpu.memory_space<vmem>> -> memref<1x4x4096xf32, #tpu.memory_space<vmem>>
    %dma_start3A_794 = tpu.memref_squeeze %dma_start3A_793 : memref<1x4x4096xf32, #tpu.memory_space<vmem>> -> memref<4x4096xf32, #tpu.memory_space<vmem>>
    tpu.enqueue_dma source(%dma_start3A_794 : memref<4x4096xf32, #tpu.memory_space<vmem>>) target(%dma_start3A_790 : memref<4x4096xf32, #tpu.memory_space<hbm>>) target_semaphore(%arg14 : memref<!tpu.dma_semaphore, #tpu.memory_space<semaphore_mem>>)
    %dma_wait3A_795 = arith.constant 15 : i32
    %dma_wait3A_796 = arith.constant 1 : i32
    %dma_wait3A_797 = arith.constant 0 : i32
    %dma_wait3A_798 = arith.constant 0 : i32
    %dma_wait3A_799 = tpu.memref_slice %arg6[%dma_wait3A_796, %dma_wait3A_797, %dma_wait3A_798] : memref<7x4x4096xf32, #tpu.memory_space<vmem>> -> memref<1x4x4096xf32, #tpu.memory_space<vmem>>
    %dma_wait3A_800 = tpu.memref_squeeze %dma_wait3A_799 : memref<1x4x4096xf32, #tpu.memory_space<vmem>> -> memref<4x4096xf32, #tpu.memory_space<vmem>>
    %dma_wait3A_801 = arith.constant 0 : i32
    %dma_wait3A_802 = tpu.memref_slice %arg5[%dma_wait3A_795, %dma_wait3A_801] : memref<16x4xi32, #tpu.memory_space<vmem>> -> memref<1x4xi32, #tpu.memory_space<vmem>>
    %dma_wait3A_803 = tpu.memref_squeeze %dma_wait3A_802 : memref<1x4xi32, #tpu.memory_space<vmem>> -> memref<4xi32, #tpu.memory_space<vmem>>
    %dma_wait3A_804 = arith.constant 0 : i32
    %dma_wait3A_805 = arith.constant 0 : i32
    %dma_wait3A_806 = tpu.memref_slice %arg2[%dma_wait3A_804, %dma_wait3A_805] : memref<32128x4096xf32, #tpu.memory_space<hbm>> -> memref<32128x4096xf32, #tpu.memory_space<hbm>>
    tpu.wait_indirect_dma semaphore(%arg8 : memref<!tpu.dma_semaphore, #tpu.memory_space<semaphore_mem>>) src(%dma_wait3A_806 : memref<32128x4096xf32, #tpu.memory_space<hbm>>) dst(%dma_wait3A_800 : memref<4x4096xf32, #tpu.memory_space<vmem>>)
    %add3A_807 = arith.constant 60 : i32
    %add3A_808 = arith.addi %mul3A_32, %add3A_807 : i32
    %dma_start3A_809 = arith.constant 1 : i32
    %dma_start3A_810 = arith.constant 0 : i32
    %dma_start3A_811 = arith.constant 0 : i32
    %dma_start3A_812 = tpu.memref_slice %arg6[%dma_start3A_809, %dma_start3A_810, %dma_start3A_811] : memref<7x4x4096xf32, #tpu.memory_space<vmem>> -> memref<1x4x4096xf32, #tpu.memory_space<vmem>>
    %dma_start3A_813 = tpu.memref_squeeze %dma_start3A_812 : memref<1x4x4096xf32, #tpu.memory_space<vmem>> -> memref<4x4096xf32, #tpu.memory_space<vmem>>
    %dma_start3A_814 = arith.constant 0 : i32
    %dma_start3A_815 = tpu.memref_slice %arg4[%select_n3A, %add3A_808, %dma_start3A_814] : memref<4x512x4096xf32, #tpu.memory_space<hbm>> -> memref<1x4x4096xf32, #tpu.memory_space<hbm>>
    %dma_start3A_816 = tpu.memref_squeeze %dma_start3A_815 : memref<1x4x4096xf32, #tpu.memory_space<hbm>> -> memref<4x4096xf32, #tpu.memory_space<hbm>>
    %dma_start3A_817 = arith.constant 0 : i32
    %dma_start3A_818 = tpu.memref_slice %arg4[%select_n3A, %add3A_808, %dma_start3A_817] : memref<4x512x4096xf32, #tpu.memory_space<hbm>> -> memref<1x4x4096xf32, #tpu.memory_space<hbm>>
    %dma_start3A_819 = tpu.memref_squeeze %dma_start3A_818 : memref<1x4x4096xf32, #tpu.memory_space<hbm>> -> memref<4x4096xf32, #tpu.memory_space<hbm>>
    %dma_start3A_820 = arith.constant 0 : i32
    %dma_start3A_821 = arith.constant 0 : i32
    %dma_start3A_822 = tpu.memref_slice %arg6[%dma_start3A_809, %dma_start3A_820, %dma_start3A_821] : memref<7x4x4096xf32, #tpu.memory_space<vmem>> -> memref<1x4x4096xf32, #tpu.memory_space<vmem>>
    %dma_start3A_823 = tpu.memref_squeeze %dma_start3A_822 : memref<1x4x4096xf32, #tpu.memory_space<vmem>> -> memref<4x4096xf32, #tpu.memory_space<vmem>>
    tpu.enqueue_dma source(%dma_start3A_823 : memref<4x4096xf32, #tpu.memory_space<vmem>>) target(%dma_start3A_819 : memref<4x4096xf32, #tpu.memory_space<hbm>>) target_semaphore(%arg15 : memref<!tpu.dma_semaphore, #tpu.memory_space<semaphore_mem>>)
    %dma_wait3A_824 = arith.constant 2 : i32
    %dma_wait3A_825 = arith.constant 0 : i32
    %dma_wait3A_826 = arith.constant 0 : i32
    %dma_wait3A_827 = tpu.memref_slice %arg6[%dma_wait3A_824, %dma_wait3A_825, %dma_wait3A_826] : memref<7x4x4096xf32, #tpu.memory_space<vmem>> -> memref<1x4x4096xf32, #tpu.memory_space<vmem>>
    %dma_wait3A_828 = tpu.memref_squeeze %dma_wait3A_827 : memref<1x4x4096xf32, #tpu.memory_space<vmem>> -> memref<4x4096xf32, #tpu.memory_space<vmem>>
    %dma_wait3A_829 = arith.constant 0 : i32
    %dma_wait3A_830 = tpu.memref_slice %arg4[%select_n3A, %add3A_580, %dma_wait3A_829] : memref<4x512x4096xf32, #tpu.memory_space<hbm>> -> memref<1x4x4096xf32, #tpu.memory_space<hbm>>
    %dma_wait3A_831 = tpu.memref_squeeze %dma_wait3A_830 : memref<1x4x4096xf32, #tpu.memory_space<hbm>> -> memref<4x4096xf32, #tpu.memory_space<hbm>>
    %dma_wait3A_832 = arith.constant 0 : i32
    %dma_wait3A_833 = tpu.memref_slice %arg4[%select_n3A, %add3A_580, %dma_wait3A_832] : memref<4x512x4096xf32, #tpu.memory_space<hbm>> -> memref<1x4x4096xf32, #tpu.memory_space<hbm>>
    %dma_wait3A_834 = tpu.memref_squeeze %dma_wait3A_833 : memref<1x4x4096xf32, #tpu.memory_space<hbm>> -> memref<4x4096xf32, #tpu.memory_space<hbm>>
    %dma_wait3A_835 = arith.constant 0 : i32
    %dma_wait3A_836 = arith.constant 0 : i32
    %dma_wait3A_837 = tpu.memref_slice %arg6[%dma_wait3A_824, %dma_wait3A_835, %dma_wait3A_836] : memref<7x4x4096xf32, #tpu.memory_space<vmem>> -> memref<1x4x4096xf32, #tpu.memory_space<vmem>>
    %dma_wait3A_838 = tpu.memref_squeeze %dma_wait3A_837 : memref<1x4x4096xf32, #tpu.memory_space<vmem>> -> memref<4x4096xf32, #tpu.memory_space<vmem>>
    tpu.wait_dma2 semaphore(%arg16 : memref<!tpu.dma_semaphore, #tpu.memory_space<semaphore_mem>>) src(%dma_wait3A_838 : memref<4x4096xf32, #tpu.memory_space<vmem>>) dst(%dma_wait3A_834 : memref<4x4096xf32, #tpu.memory_space<hbm>>)
    %dma_wait3A_839 = arith.constant 3 : i32
    %dma_wait3A_840 = arith.constant 0 : i32
    %dma_wait3A_841 = arith.constant 0 : i32
    %dma_wait3A_842 = tpu.memref_slice %arg6[%dma_wait3A_839, %dma_wait3A_840, %dma_wait3A_841] : memref<7x4x4096xf32, #tpu.memory_space<vmem>> -> memref<1x4x4096xf32, #tpu.memory_space<vmem>>
    %dma_wait3A_843 = tpu.memref_squeeze %dma_wait3A_842 : memref<1x4x4096xf32, #tpu.memory_space<vmem>> -> memref<4x4096xf32, #tpu.memory_space<vmem>>
    %dma_wait3A_844 = arith.constant 0 : i32
    %dma_wait3A_845 = tpu.memref_slice %arg4[%select_n3A, %add3A_636, %dma_wait3A_844] : memref<4x512x4096xf32, #tpu.memory_space<hbm>> -> memref<1x4x4096xf32, #tpu.memory_space<hbm>>
    %dma_wait3A_846 = tpu.memref_squeeze %dma_wait3A_845 : memref<1x4x4096xf32, #tpu.memory_space<hbm>> -> memref<4x4096xf32, #tpu.memory_space<hbm>>
    %dma_wait3A_847 = arith.constant 0 : i32
    %dma_wait3A_848 = tpu.memref_slice %arg4[%select_n3A, %add3A_636, %dma_wait3A_847] : memref<4x512x4096xf32, #tpu.memory_space<hbm>> -> memref<1x4x4096xf32, #tpu.memory_space<hbm>>
    %dma_wait3A_849 = tpu.memref_squeeze %dma_wait3A_848 : memref<1x4x4096xf32, #tpu.memory_space<hbm>> -> memref<4x4096xf32, #tpu.memory_space<hbm>>
    %dma_wait3A_850 = arith.constant 0 : i32
    %dma_wait3A_851 = arith.constant 0 : i32
    %dma_wait3A_852 = tpu.memref_slice %arg6[%dma_wait3A_839, %dma_wait3A_850, %dma_wait3A_851] : memref<7x4x4096xf32, #tpu.memory_space<vmem>> -> memref<1x4x4096xf32, #tpu.memory_space<vmem>>
    %dma_wait3A_853 = tpu.memref_squeeze %dma_wait3A_852 : memref<1x4x4096xf32, #tpu.memory_space<vmem>> -> memref<4x4096xf32, #tpu.memory_space<vmem>>
    tpu.wait_dma2 semaphore(%arg17 : memref<!tpu.dma_semaphore, #tpu.memory_space<semaphore_mem>>) src(%dma_wait3A_853 : memref<4x4096xf32, #tpu.memory_space<vmem>>) dst(%dma_wait3A_849 : memref<4x4096xf32, #tpu.memory_space<hbm>>)
    %dma_wait3A_854 = arith.constant 4 : i32
    %dma_wait3A_855 = arith.constant 0 : i32
    %dma_wait3A_856 = arith.constant 0 : i32
    %dma_wait3A_857 = tpu.memref_slice %arg6[%dma_wait3A_854, %dma_wait3A_855, %dma_wait3A_856] : memref<7x4x4096xf32, #tpu.memory_space<vmem>> -> memref<1x4x4096xf32, #tpu.memory_space<vmem>>
    %dma_wait3A_858 = tpu.memref_squeeze %dma_wait3A_857 : memref<1x4x4096xf32, #tpu.memory_space<vmem>> -> memref<4x4096xf32, #tpu.memory_space<vmem>>
    %dma_wait3A_859 = arith.constant 0 : i32
    %dma_wait3A_860 = tpu.memref_slice %arg4[%select_n3A, %add3A_692, %dma_wait3A_859] : memref<4x512x4096xf32, #tpu.memory_space<hbm>> -> memref<1x4x4096xf32, #tpu.memory_space<hbm>>
    %dma_wait3A_861 = tpu.memref_squeeze %dma_wait3A_860 : memref<1x4x4096xf32, #tpu.memory_space<hbm>> -> memref<4x4096xf32, #tpu.memory_space<hbm>>
    %dma_wait3A_862 = arith.constant 0 : i32
    %dma_wait3A_863 = tpu.memref_slice %arg4[%select_n3A, %add3A_692, %dma_wait3A_862] : memref<4x512x4096xf32, #tpu.memory_space<hbm>> -> memref<1x4x4096xf32, #tpu.memory_space<hbm>>
    %dma_wait3A_864 = tpu.memref_squeeze %dma_wait3A_863 : memref<1x4x4096xf32, #tpu.memory_space<hbm>> -> memref<4x4096xf32, #tpu.memory_space<hbm>>
    %dma_wait3A_865 = arith.constant 0 : i32
    %dma_wait3A_866 = arith.constant 0 : i32
    %dma_wait3A_867 = tpu.memref_slice %arg6[%dma_wait3A_854, %dma_wait3A_865, %dma_wait3A_866] : memref<7x4x4096xf32, #tpu.memory_space<vmem>> -> memref<1x4x4096xf32, #tpu.memory_space<vmem>>
    %dma_wait3A_868 = tpu.memref_squeeze %dma_wait3A_867 : memref<1x4x4096xf32, #tpu.memory_space<vmem>> -> memref<4x4096xf32, #tpu.memory_space<vmem>>
    tpu.wait_dma2 semaphore(%arg18 : memref<!tpu.dma_semaphore, #tpu.memory_space<semaphore_mem>>) src(%dma_wait3A_868 : memref<4x4096xf32, #tpu.memory_space<vmem>>) dst(%dma_wait3A_864 : memref<4x4096xf32, #tpu.memory_space<hbm>>)
    %dma_wait3A_869 = arith.constant 5 : i32
    %dma_wait3A_870 = arith.constant 0 : i32
    %dma_wait3A_871 = arith.constant 0 : i32
    %dma_wait3A_872 = tpu.memref_slice %arg6[%dma_wait3A_869, %dma_wait3A_870, %dma_wait3A_871] : memref<7x4x4096xf32, #tpu.memory_space<vmem>> -> memref<1x4x4096xf32, #tpu.memory_space<vmem>>
    %dma_wait3A_873 = tpu.memref_squeeze %dma_wait3A_872 : memref<1x4x4096xf32, #tpu.memory_space<vmem>> -> memref<4x4096xf32, #tpu.memory_space<vmem>>
    %dma_wait3A_874 = arith.constant 0 : i32
    %dma_wait3A_875 = tpu.memref_slice %arg4[%select_n3A, %add3A_721, %dma_wait3A_874] : memref<4x512x4096xf32, #tpu.memory_space<hbm>> -> memref<1x4x4096xf32, #tpu.memory_space<hbm>>
    %dma_wait3A_876 = tpu.memref_squeeze %dma_wait3A_875 : memref<1x4x4096xf32, #tpu.memory_space<hbm>> -> memref<4x4096xf32, #tpu.memory_space<hbm>>
    %dma_wait3A_877 = arith.constant 0 : i32
    %dma_wait3A_878 = tpu.memref_slice %arg4[%select_n3A, %add3A_721, %dma_wait3A_877] : memref<4x512x4096xf32, #tpu.memory_space<hbm>> -> memref<1x4x4096xf32, #tpu.memory_space<hbm>>
    %dma_wait3A_879 = tpu.memref_squeeze %dma_wait3A_878 : memref<1x4x4096xf32, #tpu.memory_space<hbm>> -> memref<4x4096xf32, #tpu.memory_space<hbm>>
    %dma_wait3A_880 = arith.constant 0 : i32
    %dma_wait3A_881 = arith.constant 0 : i32
    %dma_wait3A_882 = tpu.memref_slice %arg6[%dma_wait3A_869, %dma_wait3A_880, %dma_wait3A_881] : memref<7x4x4096xf32, #tpu.memory_space<vmem>> -> memref<1x4x4096xf32, #tpu.memory_space<vmem>>
    %dma_wait3A_883 = tpu.memref_squeeze %dma_wait3A_882 : memref<1x4x4096xf32, #tpu.memory_space<vmem>> -> memref<4x4096xf32, #tpu.memory_space<vmem>>
    tpu.wait_dma2 semaphore(%arg19 : memref<!tpu.dma_semaphore, #tpu.memory_space<semaphore_mem>>) src(%dma_wait3A_883 : memref<4x4096xf32, #tpu.memory_space<vmem>>) dst(%dma_wait3A_879 : memref<4x4096xf32, #tpu.memory_space<hbm>>)
    %dma_wait3A_884 = arith.constant 6 : i32
    %dma_wait3A_885 = arith.constant 0 : i32
    %dma_wait3A_886 = arith.constant 0 : i32
    %dma_wait3A_887 = tpu.memref_slice %arg6[%dma_wait3A_884, %dma_wait3A_885, %dma_wait3A_886] : memref<7x4x4096xf32, #tpu.memory_space<vmem>> -> memref<1x4x4096xf32, #tpu.memory_space<vmem>>
    %dma_wait3A_888 = tpu.memref_squeeze %dma_wait3A_887 : memref<1x4x4096xf32, #tpu.memory_space<vmem>> -> memref<4x4096xf32, #tpu.memory_space<vmem>>
    %dma_wait3A_889 = arith.constant 0 : i32
    %dma_wait3A_890 = tpu.memref_slice %arg4[%select_n3A, %add3A_750, %dma_wait3A_889] : memref<4x512x4096xf32, #tpu.memory_space<hbm>> -> memref<1x4x4096xf32, #tpu.memory_space<hbm>>
    %dma_wait3A_891 = tpu.memref_squeeze %dma_wait3A_890 : memref<1x4x4096xf32, #tpu.memory_space<hbm>> -> memref<4x4096xf32, #tpu.memory_space<hbm>>
    %dma_wait3A_892 = arith.constant 0 : i32
    %dma_wait3A_893 = tpu.memref_slice %arg4[%select_n3A, %add3A_750, %dma_wait3A_892] : memref<4x512x4096xf32, #tpu.memory_space<hbm>> -> memref<1x4x4096xf32, #tpu.memory_space<hbm>>
    %dma_wait3A_894 = tpu.memref_squeeze %dma_wait3A_893 : memref<1x4x4096xf32, #tpu.memory_space<hbm>> -> memref<4x4096xf32, #tpu.memory_space<hbm>>
    %dma_wait3A_895 = arith.constant 0 : i32
    %dma_wait3A_896 = arith.constant 0 : i32
    %dma_wait3A_897 = tpu.memref_slice %arg6[%dma_wait3A_884, %dma_wait3A_895, %dma_wait3A_896] : memref<7x4x4096xf32, #tpu.memory_space<vmem>> -> memref<1x4x4096xf32, #tpu.memory_space<vmem>>
    %dma_wait3A_898 = tpu.memref_squeeze %dma_wait3A_897 : memref<1x4x4096xf32, #tpu.memory_space<vmem>> -> memref<4x4096xf32, #tpu.memory_space<vmem>>
    tpu.wait_dma2 semaphore(%arg20 : memref<!tpu.dma_semaphore, #tpu.memory_space<semaphore_mem>>) src(%dma_wait3A_898 : memref<4x4096xf32, #tpu.memory_space<vmem>>) dst(%dma_wait3A_894 : memref<4x4096xf32, #tpu.memory_space<hbm>>)
    %dma_wait3A_899 = arith.constant 0 : i32
    %dma_wait3A_900 = arith.constant 0 : i32
    %dma_wait3A_901 = arith.constant 0 : i32
    %dma_wait3A_902 = tpu.memref_slice %arg6[%dma_wait3A_899, %dma_wait3A_900, %dma_wait3A_901] : memref<7x4x4096xf32, #tpu.memory_space<vmem>> -> memref<1x4x4096xf32, #tpu.memory_space<vmem>>
    %dma_wait3A_903 = tpu.memref_squeeze %dma_wait3A_902 : memref<1x4x4096xf32, #tpu.memory_space<vmem>> -> memref<4x4096xf32, #tpu.memory_space<vmem>>
    %dma_wait3A_904 = arith.constant 0 : i32
    %dma_wait3A_905 = tpu.memref_slice %arg4[%select_n3A, %add3A_779, %dma_wait3A_904] : memref<4x512x4096xf32, #tpu.memory_space<hbm>> -> memref<1x4x4096xf32, #tpu.memory_space<hbm>>
    %dma_wait3A_906 = tpu.memref_squeeze %dma_wait3A_905 : memref<1x4x4096xf32, #tpu.memory_space<hbm>> -> memref<4x4096xf32, #tpu.memory_space<hbm>>
    %dma_wait3A_907 = arith.constant 0 : i32
    %dma_wait3A_908 = tpu.memref_slice %arg4[%select_n3A, %add3A_779, %dma_wait3A_907] : memref<4x512x4096xf32, #tpu.memory_space<hbm>> -> memref<1x4x4096xf32, #tpu.memory_space<hbm>>
    %dma_wait3A_909 = tpu.memref_squeeze %dma_wait3A_908 : memref<1x4x4096xf32, #tpu.memory_space<hbm>> -> memref<4x4096xf32, #tpu.memory_space<hbm>>
    %dma_wait3A_910 = arith.constant 0 : i32
    %dma_wait3A_911 = arith.constant 0 : i32
    %dma_wait3A_912 = tpu.memref_slice %arg6[%dma_wait3A_899, %dma_wait3A_910, %dma_wait3A_911] : memref<7x4x4096xf32, #tpu.memory_space<vmem>> -> memref<1x4x4096xf32, #tpu.memory_space<vmem>>
    %dma_wait3A_913 = tpu.memref_squeeze %dma_wait3A_912 : memref<1x4x4096xf32, #tpu.memory_space<vmem>> -> memref<4x4096xf32, #tpu.memory_space<vmem>>
    tpu.wait_dma2 semaphore(%arg14 : memref<!tpu.dma_semaphore, #tpu.memory_space<semaphore_mem>>) src(%dma_wait3A_913 : memref<4x4096xf32, #tpu.memory_space<vmem>>) dst(%dma_wait3A_909 : memref<4x4096xf32, #tpu.memory_space<hbm>>)
    %dma_wait3A_914 = arith.constant 1 : i32
    %dma_wait3A_915 = arith.constant 0 : i32
    %dma_wait3A_916 = arith.constant 0 : i32
    %dma_wait3A_917 = tpu.memref_slice %arg6[%dma_wait3A_914, %dma_wait3A_915, %dma_wait3A_916] : memref<7x4x4096xf32, #tpu.memory_space<vmem>> -> memref<1x4x4096xf32, #tpu.memory_space<vmem>>
    %dma_wait3A_918 = tpu.memref_squeeze %dma_wait3A_917 : memref<1x4x4096xf32, #tpu.memory_space<vmem>> -> memref<4x4096xf32, #tpu.memory_space<vmem>>
    %dma_wait3A_919 = arith.constant 0 : i32
    %dma_wait3A_920 = tpu.memref_slice %arg4[%select_n3A, %add3A_808, %dma_wait3A_919] : memref<4x512x4096xf32, #tpu.memory_space<hbm>> -> memref<1x4x4096xf32, #tpu.memory_space<hbm>>
    %dma_wait3A_921 = tpu.memref_squeeze %dma_wait3A_920 : memref<1x4x4096xf32, #tpu.memory_space<hbm>> -> memref<4x4096xf32, #tpu.memory_space<hbm>>
    %dma_wait3A_922 = arith.constant 0 : i32
    %dma_wait3A_923 = tpu.memref_slice %arg4[%select_n3A, %add3A_808, %dma_wait3A_922] : memref<4x512x4096xf32, #tpu.memory_space<hbm>> -> memref<1x4x4096xf32, #tpu.memory_space<hbm>>
    %dma_wait3A_924 = tpu.memref_squeeze %dma_wait3A_923 : memref<1x4x4096xf32, #tpu.memory_space<hbm>> -> memref<4x4096xf32, #tpu.memory_space<hbm>>
    %dma_wait3A_925 = arith.constant 0 : i32
    %dma_wait3A_926 = arith.constant 0 : i32
    %dma_wait3A_927 = tpu.memref_slice %arg6[%dma_wait3A_914, %dma_wait3A_925, %dma_wait3A_926] : memref<7x4x4096xf32, #tpu.memory_space<vmem>> -> memref<1x4x4096xf32, #tpu.memory_space<vmem>>
    %dma_wait3A_928 = tpu.memref_squeeze %dma_wait3A_927 : memref<1x4x4096xf32, #tpu.memory_space<vmem>> -> memref<4x4096xf32, #tpu.memory_space<vmem>>
    tpu.wait_dma2 semaphore(%arg15 : memref<!tpu.dma_semaphore, #tpu.memory_space<semaphore_mem>>) src(%dma_wait3A_928 : memref<4x4096xf32, #tpu.memory_space<vmem>>) dst(%dma_wait3A_924 : memref<4x4096xf32, #tpu.memory_space<hbm>>)
    return
  }
}

</mosaic_0001>

<sc_bundles>
// kernel: kernel.3.cloned.1.call-start
scs
__scs_entry_jumppad:
0x0: {  	(pc) =	sbr.rel $0x88, $3  }
0x1: {  	(tag) =	ssettag $0x0;
	lr =	simm.s32 $0x1  }
0x2: {  	[smem:$0x3F9F] =	sst lr;
	_ =	strace $0xD0000000  }
0x3: {  	_ = 	snop  }
0x4: {  	_ = 	snop  }
0x5: {  	_ = 	snop  }
0x6: {  	_ = 	snop  }
0x7: {  	_ = 	snop  }
__scs_overlays_trampoline_lowered:
0x8: {  	[smem:$0x3FAE] =	sst s0  }
0x9: {  	[smem:$0x3FAF] =	sst s1  }
0xa: {  	[smem:$0x3FB0] =	sst s2  }
0xb: {  	[smem:$0x3FB1] =	sst s3  }
0xc: {  	[smem:$0x3FB2] =	sst s4  }
0xd: {  	[smem:$0x3FB3] =	sst s5  }
0xe: {  	[smem:$0x3FB4] =	sst s6  }
0xf: {  	[smem:$0x3FB5] =	sst s7  }
0x10: {  	[smem:$0x3FB6] =	sst s8  }
0x11: {  	[smem:$0x3FB7] =	sst s9;
	s0 =	simm.s32 @!p0 $0x0  }
0x12: {  	s1 =	sld [smem:$0x3F9D];
	s0 =	simm.s32 @p0 $0x1  }
0x13: {  	[smem:$0x3FB8] =	sst s0;
	s0 =	simm.s32 @!p1 $0x0  }
0x14: {  	s2 =	sld [smem:$0x3F9C];
	s0 =	simm.s32 @p1 $0x1  }
0x15: {  	[smem:$0x3FB9] =	sst s0;
	s0 =	simm.s32 @!p2 $0x0  }
0x16: {  	s3 =	sld [smem:$0x3FDB];
	s0 =	simm.s32 @p2 $0x1  }
0x17: {  	s4 =	simm.s32 $0x1BF5;
	[smem:$0x3FBB] =	sst s0  }
0x18: {  	s0 =	sld [smem:$0x3F9E];
	_ =	swait.ge [sflag:s4], $0x0  }
0x19: {  	s7 =	sld [smem:$0x3F9F]  }
0x1a: {  	s8 =	sadd.s32 $0xFFFFE003, lr  }
0x1b: {  	s9 =	sadd.s32 $0xFFFFFEF7, lr;
	s5 =	simm.s32 $0xFFFFFFFF;
	p2 =	slt.u32 s8, $0xFFFFF086  }
0x1c: {  	p1 =	slt.u32 s9, $0xF7A;
	s5 =	simm.s32 @!p2 $0x0  }
0x1d: {  	s5 =	simm.s32 @p1 $0x1;
	p0 =	seq.s32 s7, s2  }
0x1e: {  	s7 =	smul.u32 @!p0 $0xF7A, s2;
	p2 =	seq.s32 @!p0 s5, $0x0  }
0x1f: {  	s9 =	smul.u32 $0xF7A, s1;
	s8 =	simm.s32 @!p0 $0x1BF5;
	p2 =	por !p2, p0  }
0x20: {  	[sflag:s8] =	ssyncset.s32 @!p0 $0xFFFFF086;
	s6 =	sadd.s32 @!p0 s3, s7;
	s7 =	simm.s32 @!p0 $0x108  }
0x21: {  	s3 =	sadd.s32 s3, s9;
	s6 =	sadd.s32 @!p0 $0x88, s6;
	s7 =	simm.s32 @p2 $0x1082  }
0x22: {  	[simem:s7], [sflag:s8] =	dma.local @!p0 [hbm:s6], $0xF7A  }
0x23: {  	s9 =	sor.u32 $0xD0000000, s2;
	s6 =	simm.s32 $0x108;
	_ =	swait.ge @!p0 [sflag:s8], $0x0  }
0x24: {  	s3 =	sadd.s32 $0x88, s3;
	s6 =	simm.s32 @!p1 $0x1082;
	[sflag:s4] =	ssyncset.s32 $0xFFFFF086  }
0x25: {  	[simem:s6], [sflag:s4] =	dma.local [hbm:s3], $0xF7A  }
0x26: {  	[smem:$0x3F9F] =	sst s1;
	(tag) =	ssettag s2;
	_ =	strace s9  }
0x27: {  	s1 =	sld [smem:$0x3FAF]  }
0x28: {  	s2 =	sld [smem:$0x3FB0]  }
0x29: {  	s4 =	sld [smem:$0x3FB2]  }
0x2a: {  	p0 =	seq.s32 s5, $0x0;
	s5 =	sld [smem:$0x3FB3]  }
0x2b: {  	s6 =	sld [smem:$0x3FB4]  }
0x2c: {  	s7 =	sld [smem:$0x3FB5]  }
0x2d: {  	s3 =	simm.s32 $0x108;
	s8 =	sld [smem:$0x3FB6]  }
0x2e: {  	s3 =	simm.s32 @!p0 $0x1082;
	s9 =	sld [smem:$0x3FB7]  }
0x2f: {  	lr =	sadd.s32 s0, s3;
	s0 =	sld [smem:$0x3FAE]  }
0x30: {  	s3 =	sld [smem:$0x3FB1]  }
0x31: {  	[smem:$0x3FBA] =	sst s10  }
0x32: {  	s10 =	sld [smem:$0x3FB8];
	_ =	sdelay $0x3  }
0x33: {  	p0 =	seq.s32 s10, $0x1;
	s10 =	sld [smem:$0x3FBA];
	_ =	sdelay $0x3  }
0x34: {  	[smem:$0x3FBA] =	sst s10  }
0x35: {  	s10 =	sld [smem:$0x3FB9];
	_ =	sdelay $0x3  }
0x36: {  	p1 =	seq.s32 s10, $0x1;
	s10 =	sld [smem:$0x3FBA];
	_ =	sdelay $0x3  }
0x37: {  	[smem:$0x3FBA] =	sst s10  }
0x38: {  	s10 =	sld [smem:$0x3FBB]  }
0x39: {  	_ = 	snop;
	(pc) =	sbr.ind lr, $3  }
0x3a: {  	_ = 	snop  }
0x3b: {  	_ = 	snop  }
0x3c: {  	p2 =	seq.s32 s10, $0x1;
	s10 =	sld [smem:$0x3FBA]  }
0x3d: {  	_ =	shalt  }
0x3e: {  	_ =	shalt  }
0x3f: {  	_ =	shalt  }
0x40: {  	_ =	shalt  }
0x41: {  	_ =	shalt  }
0x42: {  	_ =	shalt  }
0x43: {  	_ =	shalt  }
0x44: {  	_ =	shalt  }
0x45: {  	_ =	shalt  }
0x46: {  	_ =	shalt  }
0x47: {  	_ =	shalt  }
0x48: {  	_ =	shalt  }
0x49: {  	_ =	shalt  }
0x4a: {  	_ =	shalt  }
0x4b: {  	_ =	shalt  }
0x4c: {  	_ =	shalt  }
0x4d: {  	_ =	shalt  }
0x4e: {  	_ =	shalt  }
0x4f: {  	_ =	shalt  }
0x50: {  	_ =	shalt  }
0x51: {  	_ =	shalt  }
0x52: {  	_ =	shalt  }
0x53: {  	_ =	shalt  }
0x54: {  	_ =	shalt  }
0x55: {  	_ =	shalt  }
0x56: {  	_ =	shalt  }
0x57: {  	_ =	shalt  }
0x58: {  	_ =	shalt  }
0x59: {  	_ =	shalt  }
0x5a: {  	_ =	shalt  }
0x5b: {  	_ =	shalt  }
0x5c: {  	_ =	shalt  }
0x5d: {  	_ =	shalt  }
0x5e: {  	_ =	shalt  }
0x5f: {  	_ =	shalt  }
0x60: {  	_ =	shalt  }
0x61: {  	_ =	shalt  }
0x62: {  	_ =	shalt  }
0x63: {  	_ =	shalt  }
0x64: {  	_ =	shalt  }
0x65: {  	_ =	shalt  }
0x66: {  	_ =	shalt  }
0x67: {  	_ =	shalt  }
0x68: {  	_ =	shalt  }
0x69: {  	_ =	shalt  }
0x6a: {  	_ =	shalt  }
0x6b: {  	_ =	shalt  }
0x6c: {  	_ =	shalt  }
0x6d: {  	_ =	shalt  }
0x6e: {  	_ =	shalt  }
0x6f: {  	_ =	shalt  }
0x70: {  	_ =	shalt  }
0x71: {  	_ =	shalt  }
0x72: {  	_ =	shalt  }
0x73: {  	_ =	shalt  }
0x74: {  	_ =	shalt  }
0x75: {  	_ =	shalt  }
0x76: {  	_ =	shalt  }
0x77: {  	_ =	shalt  }
0x78: {  	_ =	shalt  }
0x79: {  	_ =	shalt  }
0x7a: {  	_ =	shalt  }
0x7b: {  	_ =	shalt  }
0x7c: {  	_ =	shalt  }
0x7d: {  	_ =	shalt  }
0x7e: {  	_ =	shalt  }
0x7f: {  	_ =	shalt  }
0x80: {  	_ =	shalt  }
0x81: {  	_ =	shalt  }
0x82: {  	_ =	shalt  }
0x83: {  	_ =	shalt  }
0x84: {  	_ =	shalt  }
0x85: {  	_ =	shalt  }
0x86: {  	_ =	shalt  }
0x87: {  	_ =	shalt  }
.Lfunc_end0:
.L_simem_size_0:
called_computation_lowered:
.L_overlay_start_0:
0x88: {  	s2 =	sld [smem:$0x3FD9]  }
0x89: {  	s3 =	sld [smem:$0x3FFE];
	_ =	sdelay $0x1  }
0x8a: {  	s1 =	srdreg.scid  }
0x8b: {  	s0 =	sand.u32 $0x1, s1  }
0x8c: {  	s17 =	sshll.u32 s0, $0xA;
	s2 =	sadd.s32 s3, s2  }
0x8d: {  	s2 =	sadd.s32 s2, s17  }
0x8e: {  	[smem:$0x3FC6] =	sst s2  }
0x8f: {  	_ = 	snop  }
0x90: {  	s2 =	sld [smem:$0x3FC8]  }
0x91: {  	s18 =	sld [smem:$0x3FD0];
	(tm) =	ssettm $0x1  }
0x92: {  	s4 =	sld [smem:$0x3FFB];
	_ =	sdelay $0x3  }
0x93: {  	_ =	strace s4  }
0x94: {  	s4 =	sld [smem:$0x3FFC];
	_ =	sdelay $0x3  }
0x95: {  	_ =	strace s4  }
0x96: {  	s4 =	sld [smem:$0x3FFD];
	_ =	sdelay $0x3  }
0x97: {  	_ =	strace s4  }
0x98: {  	_ =	strace $0x8FFFFFFF  }
0x99: {  	s19 =	sld [smem:$0x3FDB];
	_ =	sdelay $0x1  }
0x9a: {  	s5 =	simm.s32 $_scs_section_size  }
0x9b: {  	s6 =	simm.s32 $_size__tile_overlayer_lowered;
	s7 =	simm.s32 $_tile_overlayer_lowered  }
0x9c: {  	s22 =	simm.s32 $0x1BFF;
	s21 =	sshll.u32 s7, $0x1;
	s4 =	sadd.s32 s5, s19  }
0x9d: {  	s8 =	simm.s32 $0x0;
	s20 =	sshll.u32 s6, $0x1;
	s6 =	sadd.s32 s21, s4  }
0x9e: {  	[timem:s8], [sflag:s22] =	dma.local [hbm:s6], s20  }
0x9f: {  	_ =	swait.ge [sflag:s22], s20  }
0xa0: {  	s5 =	ssub.s32 $0x0, s20;
	[sflag:s22] =	ssyncset.done $0x0  }
0xa1: {  	[sflag:s22] =	ssyncadd.s32 s5;
	_ =	sdelay $0x1  }
0xa2: {  	s23 =	simm.s32 $0x1B8B  }
0xa3: {  	_ =	swait.ge [sflag:s23], $0x1  }
0xa4: {  	[sflag:s23] =	ssyncset.done $0x0  }
0xa5: {  	s25 =	simm.s32 $0x1B8E;
	s24 =	sld [smem:$0x3FFE];
	[sflag:s23] =	ssyncadd.s32 $0xFFFFFFFF  }
0xa6: {  	s26 =	simm.s32 $execute0_lowered;
	[smem:$0x3FD2] =	sst s25  }
0xa7: {  	s6 =	sshll.u32 s26, $0x1;
	_ =	strace $0x80000046;
	[dreg:$0x1] =	wrdreg $0xFFFFFFFF  }
0xa8: {  	s28 =	simm.s32 $_size_execute0_lowered;
	s4 =	sadd.s32 s4, s6;
	[dreg:$0x0] =	wrdreg $0x0  }
0xa9: {  	s6 =	sshll.u32 s28, $0x1;
	[dreg:$0x2] =	wrdreg s4  }
0xaa: {  	[dreg:$0x3] =	wrdreg s6  }
0xab: {  	[dreg:$0x4] =	wrdreg $0xC0  }
0xac: {  	_ =	task [dreg:s8], $0x5FFFF  }
0xad: {  	[dreg:$0x1] =	wrdreg $0xFFFFFFFF  }
0xae: {  	[dreg:$0x0] =	wrdreg $0x60  }
0xaf: {  	[dreg:$0x2] =	wrdreg s2  }
0xb0: {  	[dreg:$0x3] =	wrdreg s24  }
0xb1: {  	[dreg:$0x4] =	wrdreg s18  }
0xb2: {  	[dreg:$0x5] =	wrdreg $0x9  }
0xb3: {  	_ =	task.clear_ibuf [dreg:s8], $0x6FFFF;
	_ =	strace $0x90000046  }
0xb4: {  	s29 =	simm.s32 $0x9;
	_ =	strace $0x80000048  }
0xb5: {  	_ =	swait.ge [sflag:s29], $0x1  }
0xb6: {  	[sflag:s29] =	ssyncadd.s32 $0xFFFFFFFF  }
0xb7: {  	_ =	strace $0x90000048  }
0xb8: {  	_ =	sfence  }
0xb9: {  	s30 =	sld [smem:$0x0];
	_ =	sdelay $0x2  }
0xba: {  	s31 =	sshll.u32 s1, $0xD;
	s1 =	sshrl.u32 s1, $0x2  }
0xbb: {  	s3 =	sand.u32 $0x4000, s31;
	s1 =	sadd.s32 s1, s30  }
0xbc: {  	s0 =	sor.u32 s3, s0;
	s1 =	sshll.u32 s1, $0x11  }
0xbd: {  	s0 =	sor.u32 s1, s0  }
0xbe: {  	s0 =	sadd.s32 $0x8F2B, s0  }
0xbf: {  	[sflag:s0] =	ssyncadd.remote.s32 $0x1  }
0xc0: {  	_ =	sfence.sel $0xFFFF  }
0xc1: {  	[dreg:$0x0] =	wrdreg $0xFFFFFFFF;
	(pc) =	sbr.abs _section_cstart, $3  }
0xc2: {  	[dreg:$0x1] =	wrdreg $0xFFFFFFFF  }
0xc3: {  	_ =	task.clear_ibuf [dreg:s8], $0x2FFFF;
	_ =	strace $0x9FFFFFFF  }
0xc4: {  	(tm) =	ssettm $0x7FFFFFFF  }
0xc5: {  	_ =	shalt  }
tec
execute0_lowered:
.L_overlay_start_1:
0x0: {  	(tag) =	ssettag $0x1  }
0x1: {  	s1 =	rddreg [dreg:$0x0]  }
0x2: {  	s2 =	rddreg [dreg:$0x1]  }
0x3: {  	s0 =	rddreg [dreg:$0x2];
	s4 =	srdreg.scid  }
0x4: {  	s7 =	stileid.u32;
	s3 =	simm.s32 $0x0;
	s4 =	sand.u32 $0x1, s4  }
0x5: {  	s5 =	sshll.u32 s7, $0x1;
	[smem:$0x7FF] =	sst s3;
	s12 =	sshll.u32 s7, $0x10  }
0x6: {  	s11 =	sadd.s32 $0x40, s0;
	s7 =	sadd.s32 $0x800, s1;
	s5 =	sor.u32 s4, s5  }
0x7: {  	_ =	strace $0x80000047;
	s4 =	ssub.s32 $0x2, s4;
	s6 =	sshll.u32 s5, $0x8  }
0x8: {  	s5 =	sshll.u32 s5, $0xF;
	s13 =	sshrl.u32 s4, $0x1;
	s2 =	sadd.s32 s6, s2  }
0x9: {  	s5 =	sand.u32 $0x38000, s5;
	s6 =	sand.u32 $0xC0000, s12;
	s12 =	ssub.s32 s4, s13  }
0xa: {  	s4 =	sadd.s32 $0x200, s1;
	s2 =	sadd.s32 $0x400, s2;
	s9 =	sor.u32 s6, s5  }
0xb: {  	[dreg:$0x4] =	wrdreg s2;
	s14 =	sadd.s32 s0, s9;
	s15 =	sadd.s32 s9, s11  }
0xc: {  	s5 =	sor.u32 $0x1000, s9;
	s18 =	sor.u32 $0x2000, s9;
	[dreg:$0x5] =	wrdreg s14  }
0xd: {  	s6 =	sor.u32 $0x3000, s9;
	[dreg:$0x6] =	wrdreg s15;
	s16 =	sadd.s32 s0, s5  }
0xe: {  	s23 =	sor.u32 $0x4000, s9;
	s17 =	sadd.s32 s5, s11;
	[dreg:$0x7] =	wrdreg s16  }
0xf: {  	s8 =	sor.u32 $0x5000, s9;
	s19 =	sadd.s32 s0, s18;
	[dreg:$0x8] =	wrdreg s17  }
0x10: {  	s10 =	sor.u32 $0x6000, s9;
	s20 =	sadd.s32 s18, s11;
	[dreg:$0x9] =	wrdreg s19  }
0x11: {  	s13 =	sor.u32 $0x7000, s9;
	s21 =	sadd.s32 s0, s6;
	[dreg:$0xa] =	wrdreg s20  }
0x12: {  	s9 =	sadd.s32 $0xC00, s1;
	s22 =	sadd.s32 s6, s11;
	[dreg:$0xb] =	wrdreg s21  }
0x13: {  	s5 =	sadd.s32 $0x400, s1;
	s24 =	sadd.s32 s0, s23;
	[dreg:$0xc] =	wrdreg s22  }
0x14: {  	s6 =	sadd.s32 $0x600, s1;
	s25 =	sadd.s32 s23, s11;
	[dreg:$0xd] =	wrdreg s24  }
0x15: {  	s26 =	sadd.s32 s0, s8;
	s28 =	sadd.s32 s8, s11;
	[dreg:$0xe] =	wrdreg s25  }
0x16: {  	s8 =	sadd.s32 $0xA00, s1;
	s29 =	sadd.s32 s0, s10;
	[dreg:$0xf] =	wrdreg s26  }
0x17: {  	s30 =	sadd.s32 s10, s11;
	s0 =	sadd.s32 s0, s13;
	[dreg:$0x10] =	wrdreg s28  }
0x18: {  	s10 =	sadd.s32 $0xE00, s1;
	s31 =	sadd.s32 s13, s11;
	[dreg:$0x11] =	wrdreg s29  }
0x19: {  	s11 =	smax.u32 s12, $0x1;
	s12 =	simm.s32 $0x200;
	[dreg:$0x12] =	wrdreg s30  }
0x1a: {  	v0 =	vlaneseq.u32;
	s14 =	simm.s32 $0x400;
	s18 =	simm.s32 $0x4800;
	[dreg:$0x13] =	wrdreg s0  }
0x1b: {  	v1 =	vshrl.u32 v0, $0x2;
	s13 =	simm.s32 $0x18800;
	[dreg:$0x14] =	wrdreg s31;
	s21 =	simm.s32 $0x1  }
0x1c: {  	vm0 =	vmmov $0xffff;
	v0 =	vand.u32 $0x3, v0;
	v1 =	vmul.u32 $0x8, v1;
	s16 =	simm.s32 $0x2;
	s19 =	simm.s32 $0x8;
	s22 =	simm.s32 $0x9  }
.LBB2_1:
0x1d: {  	s31 =	rddreg [dreg:$0x4];
	s26 =	simm.s32 $0xF  }
0x1e: {  	[tilespmem:s3], [sflag:$0xF] =	stream.linear.gather [hbm4b:s31+s3], $0x800, $0x38;
	[tilespmem:$0x1C800] =	vst v63  }
0x1f: {  	_ =	swait.ge [sflag:s26], $0x800  }
0x20: {  	[sflag:s26] =	ssyncset.done $0x0  }
0x21: {  	[sflag:s26] =	ssyncadd.s32 $0xFFFFF800  }
0x22: {  	v2 =	vld.msk [tilespmem:$0x0], $0xf;
	_ =	sdelay $0x4  }
0x23: {  	v3 =	vshll.u32 v2, $0x5  }
0x24: {  	v2 =	vand.u32 $0x7, v2;
	v3 =	vand.u32 $0xFFFFFF00, v3  }
0x25: {  	v2 =	vor.u32 v2, v3  }
0x26: {  	v2 =	vperm.xlane v2, v0;
	_ =	sdelay $0x1  }
0x27: {  	v2 =	vadd.s32 v1, v2;
	_ =	sdelay $0x3  }
0x28: {  	s0 =	simm.s32 $0x800  }
0x29: {  	[tilespmem:s0], [sflag:$0x1] =	stream.indirect_vreg.gather [hbm4b:s1+s3], $0x80, v2, vm0, $0xb8;
	[tilespmem:$0x1C800] =	vst v63  }
0x2a: {  	s28 =	simm.s32 $0x1000  }
0x2b: {  	[tilespmem:s28], [sflag:$0x1] =	stream.indirect_vreg.gather [hbm4b:s4+s3], $0x80, v2, vm0, $0xb8;
	[tilespmem:$0x1C800] =	vst v63  }
0x2c: {  	s29 =	simm.s32 $0x1800  }
0x2d: {  	[tilespmem:s29], [sflag:$0x1] =	stream.indirect_vreg.gather [hbm4b:s5+s3], $0x80, v2, vm0, $0xb8;
	[tilespmem:$0x1C800] =	vst v63  }
0x2e: {  	s30 =	simm.s32 $0x2000  }
0x2f: {  	[tilespmem:s30], [sflag:$0x1] =	stream.indirect_vreg.gather [hbm4b:s6+s3], $0x80, v2, vm0, $0xb8;
	[tilespmem:$0x1C800] =	vst v63  }
0x30: {  	s31 =	simm.s32 $0x2800  }
0x31: {  	[tilespmem:s31], [sflag:$0x1] =	stream.indirect_vreg.gather [hbm4b:s7+s3], $0x80, v2, vm0, $0xb8;
	[tilespmem:$0x1C800] =	vst v63  }
0x32: {  	s15 =	simm.s32 $0x3000  }
0x33: {  	[tilespmem:s15], [sflag:$0x1] =	stream.indirect_vreg.gather [hbm4b:s8+s3], $0x80, v2, vm0, $0xb8;
	[tilespmem:$0x1C800] =	vst v63  }
0x34: {  	s20 =	simm.s32 $0x3800  }
0x35: {  	[tilespmem:s20], [sflag:$0x1] =	stream.indirect_vreg.gather [hbm4b:s9+s3], $0x80, v2, vm0, $0xb8;
	[tilespmem:$0x1C800] =	vst v63  }
0x36: {  	s24 =	simm.s32 $0x4000  }
0x37: {  	[tilespmem:s24], [sflag:$0x1] =	stream.indirect_vreg.gather [hbm4b:s10+s3], $0x80, v2, vm0, $0xb8;
	[tilespmem:$0x1C800] =	vst v63  }
0x38: {  	v2 =	vld.msk [tilespmem:$0x80], $0xf;
	_ =	sdelay $0x4  }
0x39: {  	v3 =	vshll.u32 v2, $0x5  }
0x3a: {  	v2 =	vand.u32 $0x7, v2;
	v3 =	vand.u32 $0xFFFFFF00, v3  }
0x3b: {  	v2 =	vor.u32 v2, v3  }
0x3c: {  	v2 =	vperm.xlane v2, v0;
	_ =	sdelay $0x1  }
0x3d: {  	v2 =	vadd.s32 v1, v2;
	_ =	sdelay $0x4  }
0x3e: {  	[tilespmem:s18], [sflag:$0x2] =	stream.indirect_vreg.gather [hbm4b:s1+s3], $0x80, v2, vm0, $0xb8;
	[tilespmem:$0x1C800] =	vst v63  }
0x3f: {  	s25 =	simm.s32 $0x5000  }
0x40: {  	[tilespmem:s25], [sflag:$0x2] =	stream.indirect_vreg.gather [hbm4b:s4+s3], $0x80, v2, vm0, $0xb8;
	[tilespmem:$0x1C800] =	vst v63  }
0x41: {  	s26 =	simm.s32 $0x5800  }
0x42: {  	[tilespmem:s26], [sflag:$0x2] =	stream.indirect_vreg.gather [hbm4b:s5+s3], $0x80, v2, vm0, $0xb8;
	[tilespmem:$0x1C800] =	vst v63  }
0x43: {  	s28 =	simm.s32 $0x6000  }
0x44: {  	[tilespmem:s28], [sflag:$0x2] =	stream.indirect_vreg.gather [hbm4b:s6+s3], $0x80, v2, vm0, $0xb8;
	[tilespmem:$0x1C800] =	vst v63  }
0x45: {  	s29 =	simm.s32 $0x6800  }
0x46: {  	[tilespmem:s29], [sflag:$0x2] =	stream.indirect_vreg.gather [hbm4b:s7+s3], $0x80, v2, vm0, $0xb8;
	[tilespmem:$0x1C800] =	vst v63  }
0x47: {  	s31 =	simm.s32 $0x7000  }
0x48: {  	[tilespmem:s31], [sflag:$0x2] =	stream.indirect_vreg.gather [hbm4b:s8+s3], $0x80, v2, vm0, $0xb8;
	[tilespmem:$0x1C800] =	vst v63  }
0x49: {  	s15 =	simm.s32 $0x7800  }
0x4a: {  	[tilespmem:s15], [sflag:$0x2] =	stream.indirect_vreg.gather [hbm4b:s9+s3], $0x80, v2, vm0, $0xb8;
	[tilespmem:$0x1C800] =	vst v63  }
0x4b: {  	s24 =	simm.s32 $0x8000  }
0x4c: {  	[tilespmem:s24], [sflag:$0x2] =	stream.indirect_vreg.gather [hbm4b:s10+s3], $0x80, v2, vm0, $0xb8;
	[tilespmem:$0x1C800] =	vst v63  }
0x4d: {  	v2 =	vld.msk [tilespmem:$0x100], $0xf;
	_ =	sdelay $0x4  }
0x4e: {  	v3 =	vshll.u32 v2, $0x5  }
0x4f: {  	v2 =	vand.u32 $0x7, v2;
	v3 =	vand.u32 $0xFFFFFF00, v3  }
0x50: {  	v2 =	vor.u32 v2, v3  }
0x51: {  	v2 =	vperm.xlane v2, v0;
	_ =	sdelay $0x1  }
0x52: {  	v2 =	vadd.s32 v1, v2;
	_ =	sdelay $0x3  }
0x53: {  	s25 =	simm.s32 $0x8800  }
0x54: {  	[tilespmem:s25], [sflag:$0x3] =	stream.indirect_vreg.gather [hbm4b:s1+s3], $0x80, v2, vm0, $0xb8;
	[tilespmem:$0x1C800] =	vst v63  }
0x55: {  	s28 =	simm.s32 $0x9000  }
0x56: {  	[tilespmem:s28], [sflag:$0x3] =	stream.indirect_vreg.gather [hbm4b:s4+s3], $0x80, v2, vm0, $0xb8;
	[tilespmem:$0x1C800] =	vst v63  }
0x57: {  	s29 =	simm.s32 $0x9800  }
0x58: {  	[tilespmem:s29], [sflag:$0x3] =	stream.indirect_vreg.gather [hbm4b:s5+s3], $0x80, v2, vm0, $0xb8;
	[tilespmem:$0x1C800] =	vst v63  }
0x59: {  	s26 =	simm.s32 $0xA000  }
0x5a: {  	[tilespmem:s26], [sflag:$0x3] =	stream.indirect_vreg.gather [hbm4b:s6+s3], $0x80, v2, vm0, $0xb8;
	[tilespmem:$0x1C800] =	vst v63  }
0x5b: {  	s31 =	simm.s32 $0xA800  }
0x5c: {  	[tilespmem:s31], [sflag:$0x3] =	stream.indirect_vreg.gather [hbm4b:s7+s3], $0x80, v2, vm0, $0xb8;
	[tilespmem:$0x1C800] =	vst v63  }
0x5d: {  	s24 =	simm.s32 $0xB000  }
0x5e: {  	[tilespmem:s24], [sflag:$0x3] =	stream.indirect_vreg.gather [hbm4b:s8+s3], $0x80, v2, vm0, $0xb8;
	[tilespmem:$0x1C800] =	vst v63  }
0x5f: {  	s25 =	simm.s32 $0xB800  }
0x60: {  	[tilespmem:s25], [sflag:$0x3] =	stream.indirect_vreg.gather [hbm4b:s9+s3], $0x80, v2, vm0, $0xb8;
	[tilespmem:$0x1C800] =	vst v63  }
0x61: {  	s26 =	simm.s32 $0xC000  }
0x62: {  	[tilespmem:s26], [sflag:$0x3] =	stream.indirect_vreg.gather [hbm4b:s10+s3], $0x80, v2, vm0, $0xb8;
	[tilespmem:$0x1C800] =	vst v63  }
0x63: {  	v2 =	vld.msk [tilespmem:$0x180], $0xf;
	_ =	sdelay $0x4  }
0x64: {  	v3 =	vshll.u32 v2, $0x5  }
0x65: {  	v2 =	vand.u32 $0x7, v2;
	v3 =	vand.u32 $0xFFFFFF00, v3  }
0x66: {  	v2 =	vor.u32 v2, v3  }
0x67: {  	v2 =	vperm.xlane v2, v0;
	_ =	sdelay $0x1  }
0x68: {  	v2 =	vadd.s32 v1, v2;
	_ =	sdelay $0x3  }
0x69: {  	s15 =	simm.s32 $0xC800  }
0x6a: {  	[tilespmem:s15], [sflag:$0x4] =	stream.indirect_vreg.gather [hbm4b:s1+s3], $0x80, v2, vm0, $0xb8;
	[tilespmem:$0x1C800] =	vst v63  }
0x6b: {  	s31 =	simm.s32 $0xD000  }
0x6c: {  	[tilespmem:s31], [sflag:$0x4] =	stream.indirect_vreg.gather [hbm4b:s4+s3], $0x80, v2, vm0, $0xb8;
	[tilespmem:$0x1C800] =	vst v63  }
0x6d: {  	s15 =	simm.s32 $0xD800  }
0x6e: {  	[tilespmem:s15], [sflag:$0x4] =	stream.indirect_vreg.gather [hbm4b:s5+s3], $0x80, v2, vm0, $0xb8;
	[tilespmem:$0x1C800] =	vst v63  }
0x6f: {  	s31 =	simm.s32 $0xE000  }
0x70: {  	[tilespmem:s31], [sflag:$0x4] =	stream.indirect_vreg.gather [hbm4b:s6+s3], $0x80, v2, vm0, $0xb8;
	[tilespmem:$0x1C800] =	vst v63  }
0x71: {  	s15 =	simm.s32 $0xE800  }
0x72: {  	[tilespmem:s15], [sflag:$0x4] =	stream.indirect_vreg.gather [hbm4b:s7+s3], $0x80, v2, vm0, $0xb8;
	[tilespmem:$0x1C800] =	vst v63  }
0x73: {  	s31 =	simm.s32 $0xF000  }
0x74: {  	[tilespmem:s31], [sflag:$0x4] =	stream.indirect_vreg.gather [hbm4b:s8+s3], $0x80, v2, vm0, $0xb8;
	[tilespmem:$0x1C800] =	vst v63  }
0x75: {  	s15 =	simm.s32 $0xF800  }
0x76: {  	[tilespmem:s15], [sflag:$0x4] =	stream.indirect_vreg.gather [hbm4b:s9+s3], $0x80, v2, vm0, $0xb8;
	[tilespmem:$0x1C800] =	vst v63  }
0x77: {  	s31 =	simm.s32 $0x10000  }
0x78: {  	[tilespmem:s31], [sflag:$0x4] =	stream.indirect_vreg.gather [hbm4b:s10+s3], $0x80, v2, vm0, $0xb8;
	[tilespmem:$0x1C800] =	vst v63  }
0x79: {  	v2 =	vld.msk [tilespmem:$0x200], $0xf;
	_ =	sdelay $0x4  }
0x7a: {  	v3 =	vshll.u32 v2, $0x5  }
0x7b: {  	v2 =	vand.u32 $0x7, v2;
	v3 =	vand.u32 $0xFFFFFF00, v3  }
0x7c: {  	v2 =	vor.u32 v2, v3  }
0x7d: {  	v2 =	vperm.xlane v2, v0;
	_ =	sdelay $0x1  }
0x7e: {  	v2 =	vadd.s32 v1, v2;
	_ =	sdelay $0x3  }
0x7f: {  	s15 =	simm.s32 $0x10800  }
0x80: {  	[tilespmem:s15], [sflag:$0x5] =	stream.indirect_vreg.gather [hbm4b:s1+s3], $0x80, v2, vm0, $0xb8;
	[tilespmem:$0x1C800] =	vst v63  }
0x81: {  	s31 =	simm.s32 $0x11000  }
0x82: {  	[tilespmem:s31], [sflag:$0x5] =	stream.indirect_vreg.gather [hbm4b:s4+s3], $0x80, v2, vm0, $0xb8;
	[tilespmem:$0x1C800] =	vst v63  }
0x83: {  	s15 =	simm.s32 $0x11800  }
0x84: {  	[tilespmem:s15], [sflag:$0x5] =	stream.indirect_vreg.gather [hbm4b:s5+s3], $0x80, v2, vm0, $0xb8;
	[tilespmem:$0x1C800] =	vst v63  }
0x85: {  	s31 =	simm.s32 $0x12000  }
0x86: {  	[tilespmem:s31], [sflag:$0x5] =	stream.indirect_vreg.gather [hbm4b:s6+s3], $0x80, v2, vm0, $0xb8;
	[tilespmem:$0x1C800] =	vst v63  }
0x87: {  	s15 =	simm.s32 $0x12800  }
0x88: {  	[tilespmem:s15], [sflag:$0x5] =	stream.indirect_vreg.gather [hbm4b:s7+s3], $0x80, v2, vm0, $0xb8;
	[tilespmem:$0x1C800] =	vst v63  }
0x89: {  	s31 =	simm.s32 $0x13000  }
0x8a: {  	[tilespmem:s31], [sflag:$0x5] =	stream.indirect_vreg.gather [hbm4b:s8+s3], $0x80, v2, vm0, $0xb8;
	[tilespmem:$0x1C800] =	vst v63  }
0x8b: {  	s15 =	simm.s32 $0x13800  }
0x8c: {  	[tilespmem:s15], [sflag:$0x5] =	stream.indirect_vreg.gather [hbm4b:s9+s3], $0x80, v2, vm0, $0xb8;
	[tilespmem:$0x1C800] =	vst v63  }
0x8d: {  	s31 =	simm.s32 $0x14000  }
0x8e: {  	[tilespmem:s31], [sflag:$0x5] =	stream.indirect_vreg.gather [hbm4b:s10+s3], $0x80, v2, vm0, $0xb8;
	[tilespmem:$0x1C800] =	vst v63  }
0x8f: {  	_ =	swait.ge [sflag:s21], $0x4000  }
0x90: {  	[sflag:s21] =	ssyncset.done $0x0  }
0x91: {  	s17 =	simm.s32 $0x800;
	s0 =	rddreg [dreg:$0x5];
	[sflag:s21] =	ssyncadd.s32 $0xFFFFC000  }
0x92: {  	[hbm4b:s0+s12] =	stream.strided.scatter [tilespmem:s17], [sflag:$0x8], $0x4000, s14, s12, $0x38;
	[tilespmem:$0x1C800] =	vst v63  }
0x93: {  	v2 =	vld.msk [tilespmem:$0x280], $0xf;
	_ =	sdelay $0x4  }
0x94: {  	v3 =	vshll.u32 v2, $0x5  }
0x95: {  	v2 =	vand.u32 $0x7, v2;
	v3 =	vand.u32 $0xFFFFFF00, v3  }
0x96: {  	v2 =	vor.u32 v2, v3  }
0x97: {  	v2 =	vperm.xlane v2, v0;
	_ =	sdelay $0x1  }
0x98: {  	v2 =	vadd.s32 v1, v2;
	_ =	sdelay $0x3  }
0x99: {  	s15 =	simm.s32 $0x14800  }
0x9a: {  	[tilespmem:s15], [sflag:$0x6] =	stream.indirect_vreg.gather [hbm4b:s1+s3], $0x80, v2, vm0, $0xb8;
	[tilespmem:$0x1C800] =	vst v63  }
0x9b: {  	s31 =	simm.s32 $0x15000  }
0x9c: {  	[tilespmem:s31], [sflag:$0x6] =	stream.indirect_vreg.gather [hbm4b:s4+s3], $0x80, v2, vm0, $0xb8;
	[tilespmem:$0x1C800] =	vst v63  }
0x9d: {  	s15 =	simm.s32 $0x15800  }
0x9e: {  	[tilespmem:s15], [sflag:$0x6] =	stream.indirect_vreg.gather [hbm4b:s5+s3], $0x80, v2, vm0, $0xb8;
	[tilespmem:$0x1C800] =	vst v63  }
0x9f: {  	s31 =	simm.s32 $0x16000  }
0xa0: {  	[tilespmem:s31], [sflag:$0x6] =	stream.indirect_vreg.gather [hbm4b:s6+s3], $0x80, v2, vm0, $0xb8;
	[tilespmem:$0x1C800] =	vst v63  }
0xa1: {  	s15 =	simm.s32 $0x16800  }
0xa2: {  	[tilespmem:s15], [sflag:$0x6] =	stream.indirect_vreg.gather [hbm4b:s7+s3], $0x80, v2, vm0, $0xb8;
	[tilespmem:$0x1C800] =	vst v63  }
0xa3: {  	s31 =	simm.s32 $0x17000  }
0xa4: {  	[tilespmem:s31], [sflag:$0x6] =	stream.indirect_vreg.gather [hbm4b:s8+s3], $0x80, v2, vm0, $0xb8;
	[tilespmem:$0x1C800] =	vst v63  }
0xa5: {  	s15 =	simm.s32 $0x17800  }
0xa6: {  	[tilespmem:s15], [sflag:$0x6] =	stream.indirect_vreg.gather [hbm4b:s9+s3], $0x80, v2, vm0, $0xb8;
	[tilespmem:$0x1C800] =	vst v63  }
0xa7: {  	s31 =	simm.s32 $0x18000  }
0xa8: {  	[tilespmem:s31], [sflag:$0x6] =	stream.indirect_vreg.gather [hbm4b:s10+s3], $0x80, v2, vm0, $0xb8;
	[tilespmem:$0x1C800] =	vst v63  }
0xa9: {  	_ =	swait.ge [sflag:s16], $0x4000  }
0xaa: {  	[sflag:s16] =	ssyncset.done $0x0  }
0xab: {  	s0 =	rddreg [dreg:$0x6];
	[sflag:s16] =	ssyncadd.s32 $0xFFFFC000  }
0xac: {  	[hbm4b:s0+s12] =	stream.strided.scatter [tilespmem:s18], [sflag:$0x9], $0x4000, s14, s12, $0x38;
	[tilespmem:$0x1C800] =	vst v63  }
0xad: {  	v2 =	vld.msk [tilespmem:$0x300], $0xf;
	_ =	sdelay $0x4  }
0xae: {  	v3 =	vshll.u32 v2, $0x5  }
0xaf: {  	v2 =	vand.u32 $0x7, v2;
	v3 =	vand.u32 $0xFFFFFF00, v3  }
0xb0: {  	v2 =	vor.u32 v2, v3  }
0xb1: {  	v2 =	vperm.xlane v2, v0;
	_ =	sdelay $0x1  }
0xb2: {  	v2 =	vadd.s32 v1, v2;
	_ =	sdelay $0x4  }
0xb3: {  	[tilespmem:s13], [sflag:$0x7] =	stream.indirect_vreg.gather [hbm4b:s1+s3], $0x80, v2, vm0, $0xb8;
	[tilespmem:$0x1C800] =	vst v63  }
0xb4: {  	s15 =	simm.s32 $0x19000  }
0xb5: {  	[tilespmem:s15], [sflag:$0x7] =	stream.indirect_vreg.gather [hbm4b:s4+s3], $0x80, v2, vm0, $0xb8;
	[tilespmem:$0x1C800] =	vst v63  }
0xb6: {  	s31 =	simm.s32 $0x19800  }
0xb7: {  	[tilespmem:s31], [sflag:$0x7] =	stream.indirect_vreg.gather [hbm4b:s5+s3], $0x80, v2, vm0, $0xb8;
	[tilespmem:$0x1C800] =	vst v63  }
0xb8: {  	s15 =	simm.s32 $0x1A000  }
0xb9: {  	[tilespmem:s15], [sflag:$0x7] =	stream.indirect_vreg.gather [hbm4b:s6+s3], $0x80, v2, vm0, $0xb8;
	[tilespmem:$0x1C800] =	vst v63  }
0xba: {  	s31 =	simm.s32 $0x1A800  }
0xbb: {  	[tilespmem:s31], [sflag:$0x7] =	stream.indirect_vreg.gather [hbm4b:s7+s3], $0x80, v2, vm0, $0xb8;
	[tilespmem:$0x1C800] =	vst v63  }
0xbc: {  	s15 =	simm.s32 $0x1B000  }
0xbd: {  	[tilespmem:s15], [sflag:$0x7] =	stream.indirect_vreg.gather [hbm4b:s8+s3], $0x80, v2, vm0, $0xb8;
	[tilespmem:$0x1C800] =	vst v63  }
0xbe: {  	s31 =	simm.s32 $0x1B800  }
0xbf: {  	[tilespmem:s31], [sflag:$0x7] =	stream.indirect_vreg.gather [hbm4b:s9+s3], $0x80, v2, vm0, $0xb8;
	[tilespmem:$0x1C800] =	vst v63  }
0xc0: {  	s0 =	simm.s32 $0x3;
	s15 =	simm.s32 $0x1C000  }
0xc1: {  	[tilespmem:s15], [sflag:$0x7] =	stream.indirect_vreg.gather [hbm4b:s10+s3], $0x80, v2, vm0, $0xb8;
	[tilespmem:$0x1C800] =	vst v63  }
0xc2: {  	_ =	swait.ge [sflag:s0], $0x4000  }
0xc3: {  	[sflag:s0] =	ssyncset.done $0x0  }
0xc4: {  	s15 =	simm.s32 $0x8800;
	s31 =	rddreg [dreg:$0x7];
	[sflag:s0] =	ssyncadd.s32 $0xFFFFC000  }
0xc5: {  	[hbm4b:s31+s12] =	stream.strided.scatter [tilespmem:s15], [sflag:$0xA], $0x4000, s14, s12, $0x38;
	[tilespmem:$0x1C800] =	vst v63  }
0xc6: {  	_ =	swait.ge [sflag:s19], $0x4000  }
0xc7: {  	[sflag:s19] =	ssyncset.done $0x0  }
0xc8: {  	[sflag:s19] =	ssyncadd.s32 $0xFFFFC000  }
0xc9: {  	v2 =	vld.msk [tilespmem:$0x380], $0xf;
	_ =	sdelay $0x4  }
0xca: {  	v3 =	vshll.u32 v2, $0x5  }
0xcb: {  	v2 =	vand.u32 $0x7, v2;
	v3 =	vand.u32 $0xFFFFFF00, v3  }
0xcc: {  	v2 =	vor.u32 v2, v3  }
0xcd: {  	v2 =	vperm.xlane v2, v0;
	_ =	sdelay $0x1  }
0xce: {  	v2 =	vadd.s32 v1, v2;
	_ =	sdelay $0x4  }
0xcf: {  	[tilespmem:s17], [sflag:$0x1] =	stream.indirect_vreg.gather [hbm4b:s1+s3], $0x80, v2, vm0, $0xb8;
	[tilespmem:$0x1C800] =	vst v63  }
0xd0: {  	s2 =	simm.s32 $0x1000  }
0xd1: {  	[tilespmem:s2], [sflag:$0x1] =	stream.indirect_vreg.gather [hbm4b:s4+s3], $0x80, v2, vm0, $0xb8;
	[tilespmem:$0x1C800] =	vst v63  }
0xd2: {  	s31 =	simm.s32 $0x1800  }
0xd3: {  	[tilespmem:s31], [sflag:$0x1] =	stream.indirect_vreg.gather [hbm4b:s5+s3], $0x80, v2, vm0, $0xb8;
	[tilespmem:$0x1C800] =	vst v63  }
0xd4: {  	s23 =	simm.s32 $0x2000  }
0xd5: {  	[tilespmem:s23], [sflag:$0x1] =	stream.indirect_vreg.gather [hbm4b:s6+s3], $0x80, v2, vm0, $0xb8;
	[tilespmem:$0x1C800] =	vst v63  }
0xd6: {  	s30 =	simm.s32 $0x2800  }
0xd7: {  	[tilespmem:s30], [sflag:$0x1] =	stream.indirect_vreg.gather [hbm4b:s7+s3], $0x80, v2, vm0, $0xb8;
	[tilespmem:$0x1C800] =	vst v63  }
0xd8: {  	s17 =	simm.s32 $0x3000  }
0xd9: {  	[tilespmem:s17], [sflag:$0x1] =	stream.indirect_vreg.gather [hbm4b:s8+s3], $0x80, v2, vm0, $0xb8;
	[tilespmem:$0x1C800] =	vst v63  }
0xda: {  	s23 =	simm.s32 $0x3800  }
0xdb: {  	[tilespmem:s23], [sflag:$0x1] =	stream.indirect_vreg.gather [hbm4b:s9+s3], $0x80, v2, vm0, $0xb8;
	[tilespmem:$0x1C800] =	vst v63  }
0xdc: {  	s20 =	simm.s32 $0x4000;
	s2 =	simm.s32 $0x4  }
0xdd: {  	[tilespmem:s20], [sflag:$0x1] =	stream.indirect_vreg.gather [hbm4b:s10+s3], $0x80, v2, vm0, $0xb8;
	[tilespmem:$0x1C800] =	vst v63  }
0xde: {  	_ =	swait.ge [sflag:s2], $0x4000  }
0xdf: {  	[sflag:s2] =	ssyncset.done $0x0  }
0xe0: {  	s17 =	simm.s32 $0xC800;
	s30 =	rddreg [dreg:$0x8];
	[sflag:s2] =	ssyncadd.s32 $0xFFFFC000  }
0xe1: {  	[hbm4b:s30+s12] =	stream.strided.scatter [tilespmem:s17], [sflag:$0xB], $0x4000, s14, s12, $0x38;
	[tilespmem:$0x1C800] =	vst v63  }
0xe2: {  	_ =	swait.ge [sflag:s22], $0x4000  }
0xe3: {  	[sflag:s22] =	ssyncset.done $0x0  }
0xe4: {  	[sflag:s22] =	ssyncadd.s32 $0xFFFFC000  }
0xe5: {  	v2 =	vld.msk [tilespmem:$0x400], $0xf;
	_ =	sdelay $0x4  }
0xe6: {  	v3 =	vshll.u32 v2, $0x5  }
0xe7: {  	v2 =	vand.u32 $0x7, v2;
	v3 =	vand.u32 $0xFFFFFF00, v3  }
0xe8: {  	v2 =	vor.u32 v2, v3  }
0xe9: {  	v2 =	vperm.xlane v2, v0;
	_ =	sdelay $0x1  }
0xea: {  	v2 =	vadd.s32 v1, v2;
	_ =	sdelay $0x4  }
0xeb: {  	[tilespmem:s18], [sflag:$0x2] =	stream.indirect_vreg.gather [hbm4b:s1+s3], $0x80, v2, vm0, $0xb8;
	[tilespmem:$0x1C800] =	vst v63  }
0xec: {  	s31 =	simm.s32 $0x5000  }
0xed: {  	[tilespmem:s31], [sflag:$0x2] =	stream.indirect_vreg.gather [hbm4b:s4+s3], $0x80, v2, vm0, $0xb8;
	[tilespmem:$0x1C800] =	vst v63  }
0xee: {  	s23 =	simm.s32 $0x5800  }
0xef: {  	[tilespmem:s23], [sflag:$0x2] =	stream.indirect_vreg.gather [hbm4b:s5+s3], $0x80, v2, vm0, $0xb8;
	[tilespmem:$0x1C800] =	vst v63  }
0xf0: {  	s30 =	simm.s32 $0x6000  }
0xf1: {  	[tilespmem:s30], [sflag:$0x2] =	stream.indirect_vreg.gather [hbm4b:s6+s3], $0x80, v2, vm0, $0xb8;
	[tilespmem:$0x1C800] =	vst v63  }
0xf2: {  	s31 =	simm.s32 $0x6800  }
0xf3: {  	[tilespmem:s31], [sflag:$0x2] =	stream.indirect_vreg.gather [hbm4b:s7+s3], $0x80, v2, vm0, $0xb8;
	[tilespmem:$0x1C800] =	vst v63  }
0xf4: {  	s23 =	simm.s32 $0x7000  }
0xf5: {  	[tilespmem:s23], [sflag:$0x2] =	stream.indirect_vreg.gather [hbm4b:s8+s3], $0x80, v2, vm0, $0xb8;
	[tilespmem:$0x1C800] =	vst v63  }
0xf6: {  	s30 =	simm.s32 $0x7800  }
0xf7: {  	[tilespmem:s30], [sflag:$0x2] =	stream.indirect_vreg.gather [hbm4b:s9+s3], $0x80, v2, vm0, $0xb8;
	[tilespmem:$0x1C800] =	vst v63  }
0xf8: {  	s31 =	simm.s32 $0x8000;
	s30 =	simm.s32 $0x5  }
0xf9: {  	[tilespmem:s31], [sflag:$0x2] =	stream.indirect_vreg.gather [hbm4b:s10+s3], $0x80, v2, vm0, $0xb8;
	[tilespmem:$0x1C800] =	vst v63  }
0xfa: {  	_ =	swait.ge [sflag:s30], $0x4000  }
0xfb: {  	[sflag:s30] =	ssyncset.done $0x0  }
0xfc: {  	s23 =	simm.s32 $0x10800;
	s20 =	rddreg [dreg:$0x9];
	[sflag:s30] =	ssyncadd.s32 $0xFFFFC000  }
0xfd: {  	[hbm4b:s20+s12] =	stream.strided.scatter [tilespmem:s23], [sflag:$0xC], $0x4000, s14, s12, $0x38;
	[tilespmem:$0x1C800] =	vst v63  }
0xfe: {  	s20 =	simm.s32 $0xA  }
0xff: {  	_ =	swait.ge [sflag:s20], $0x4000  }
0x100: {  	[sflag:s20] =	ssyncset.done $0x0  }
0x101: {  	[sflag:s20] =	ssyncadd.s32 $0xFFFFC000  }
0x102: {  	v2 =	vld.msk [tilespmem:$0x480], $0xf;
	_ =	sdelay $0x4  }
0x103: {  	v3 =	vshll.u32 v2, $0x5  }
0x104: {  	v2 =	vand.u32 $0x7, v2;
	v3 =	vand.u32 $0xFFFFFF00, v3  }
0x105: {  	v2 =	vor.u32 v2, v3  }
0x106: {  	v2 =	vperm.xlane v2, v0;
	_ =	sdelay $0x1  }
0x107: {  	v2 =	vadd.s32 v1, v2;
	_ =	sdelay $0x4  }
0x108: {  	[tilespmem:s15], [sflag:$0x3] =	stream.indirect_vreg.gather [hbm4b:s1+s3], $0x80, v2, vm0, $0xb8;
	[tilespmem:$0x1C800] =	vst v63  }
0x109: {  	_ = 	snop  }
0x10a: {  	[tilespmem:s28], [sflag:$0x3] =	stream.indirect_vreg.gather [hbm4b:s4+s3], $0x80, v2, vm0, $0xb8;
	[tilespmem:$0x1C800] =	vst v63  }
0x10b: {  	_ = 	snop  }
0x10c: {  	[tilespmem:s29], [sflag:$0x3] =	stream.indirect_vreg.gather [hbm4b:s5+s3], $0x80, v2, vm0, $0xb8;
	[tilespmem:$0x1C800] =	vst v63  }
0x10d: {  	s29 =	simm.s32 $0xA000  }
0x10e: {  	[tilespmem:s29], [sflag:$0x3] =	stream.indirect_vreg.gather [hbm4b:s6+s3], $0x80, v2, vm0, $0xb8;
	[tilespmem:$0x1C800] =	vst v63  }
0x10f: {  	s31 =	simm.s32 $0xA800  }
0x110: {  	[tilespmem:s31], [sflag:$0x3] =	stream.indirect_vreg.gather [hbm4b:s7+s3], $0x80, v2, vm0, $0xb8;
	[tilespmem:$0x1C800] =	vst v63  }
0x111: {  	_ = 	snop  }
0x112: {  	[tilespmem:s24], [sflag:$0x3] =	stream.indirect_vreg.gather [hbm4b:s8+s3], $0x80, v2, vm0, $0xb8;
	[tilespmem:$0x1C800] =	vst v63  }
0x113: {  	_ = 	snop  }
0x114: {  	[tilespmem:s25], [sflag:$0x3] =	stream.indirect_vreg.gather [hbm4b:s9+s3], $0x80, v2, vm0, $0xb8;
	[tilespmem:$0x1C800] =	vst v63  }
0x115: {  	s24 =	simm.s32 $0x6  }
0x116: {  	[tilespmem:s26], [sflag:$0x3] =	stream.indirect_vreg.gather [hbm4b:s10+s3], $0x80, v2, vm0, $0xb8;
	[tilespmem:$0x1C800] =	vst v63  }
0x117: {  	_ =	swait.ge [sflag:s24], $0x4000  }
0x118: {  	s15 =	simm.s32 $0x14800;
	[sflag:s24] =	ssyncset.done $0x0  }
0x119: {  	s25 =	simm.s32 $0xB;
	s26 =	rddreg [dreg:$0xa];
	[sflag:s24] =	ssyncadd.s32 $0xFFFFC000  }
0x11a: {  	[hbm4b:s26+s12] =	stream.strided.scatter [tilespmem:s15], [sflag:$0xD], $0x4000, s14, s12, $0x38;
	[tilespmem:$0x1C800] =	vst v63  }
0x11b: {  	_ =	swait.ge [sflag:s25], $0x4000  }
0x11c: {  	[sflag:s25] =	ssyncset.done $0x0  }
0x11d: {  	[sflag:s25] =	ssyncadd.s32 $0xFFFFC000  }
0x11e: {  	v2 =	vld.msk [tilespmem:$0x500], $0xf;
	_ =	sdelay $0x4  }
0x11f: {  	v3 =	vshll.u32 v2, $0x5  }
0x120: {  	v2 =	vand.u32 $0x7, v2;
	v3 =	vand.u32 $0xFFFFFF00, v3  }
0x121: {  	v2 =	vor.u32 v2, v3  }
0x122: {  	v2 =	vperm.xlane v2, v0;
	_ =	sdelay $0x1  }
0x123: {  	v2 =	vadd.s32 v1, v2;
	_ =	sdelay $0x4  }
0x124: {  	[tilespmem:s17], [sflag:$0x4] =	stream.indirect_vreg.gather [hbm4b:s1+s3], $0x80, v2, vm0, $0xb8;
	[tilespmem:$0x1C800] =	vst v63  }
0x125: {  	s28 =	simm.s32 $0xD000  }
0x126: {  	[tilespmem:s28], [sflag:$0x4] =	stream.indirect_vreg.gather [hbm4b:s4+s3], $0x80, v2, vm0, $0xb8;
	[tilespmem:$0x1C800] =	vst v63  }
0x127: {  	s29 =	simm.s32 $0xD800  }
0x128: {  	[tilespmem:s29], [sflag:$0x4] =	stream.indirect_vreg.gather [hbm4b:s5+s3], $0x80, v2, vm0, $0xb8;
	[tilespmem:$0x1C800] =	vst v63  }
0x129: {  	s31 =	simm.s32 $0xE000  }
0x12a: {  	[tilespmem:s31], [sflag:$0x4] =	stream.indirect_vreg.gather [hbm4b:s6+s3], $0x80, v2, vm0, $0xb8;
	[tilespmem:$0x1C800] =	vst v63  }
0x12b: {  	s26 =	simm.s32 $0xE800  }
0x12c: {  	[tilespmem:s26], [sflag:$0x4] =	stream.indirect_vreg.gather [hbm4b:s7+s3], $0x80, v2, vm0, $0xb8;
	[tilespmem:$0x1C800] =	vst v63  }
0x12d: {  	s28 =	simm.s32 $0xF000  }
0x12e: {  	[tilespmem:s28], [sflag:$0x4] =	stream.indirect_vreg.gather [hbm4b:s8+s3], $0x80, v2, vm0, $0xb8;
	[tilespmem:$0x1C800] =	vst v63  }
0x12f: {  	s29 =	simm.s32 $0xF800  }
0x130: {  	[tilespmem:s29], [sflag:$0x4] =	stream.indirect_vreg.gather [hbm4b:s9+s3], $0x80, v2, vm0, $0xb8;
	[tilespmem:$0x1C800] =	vst v63  }
0x131: {  	s31 =	simm.s32 $0x10000;
	s26 =	simm.s32 $0x7  }
0x132: {  	[tilespmem:s31], [sflag:$0x4] =	stream.indirect_vreg.gather [hbm4b:s10+s3], $0x80, v2, vm0, $0xb8;
	[tilespmem:$0x1C800] =	vst v63  }
0x133: {  	_ =	swait.ge [sflag:s26], $0x4000  }
0x134: {  	[sflag:s26] =	ssyncset.done $0x0  }
0x135: {  	s28 =	simm.s32 $0xC;
	s17 =	rddreg [dreg:$0xb];
	[sflag:s26] =	ssyncadd.s32 $0xFFFFC000  }
0x136: {  	[hbm4b:s17+s12] =	stream.strided.scatter [tilespmem:s13], [sflag:$0xE], $0x4000, s14, s12, $0x38;
	[tilespmem:$0x1C800] =	vst v63  }
0x137: {  	_ =	swait.ge [sflag:s28], $0x4000  }
0x138: {  	[sflag:s28] =	ssyncset.done $0x0  }
0x139: {  	[sflag:s28] =	ssyncadd.s32 $0xFFFFC000  }
0x13a: {  	v2 =	vld.msk [tilespmem:$0x580], $0xf;
	_ =	sdelay $0x4  }
0x13b: {  	v3 =	vshll.u32 v2, $0x5  }
0x13c: {  	v2 =	vand.u32 $0x7, v2;
	v3 =	vand.u32 $0xFFFFFF00, v3  }
0x13d: {  	v2 =	vor.u32 v2, v3  }
0x13e: {  	v2 =	vperm.xlane v2, v0;
	_ =	sdelay $0x1  }
0x13f: {  	v2 =	vadd.s32 v1, v2;
	_ =	sdelay $0x4  }
0x140: {  	[tilespmem:s23], [sflag:$0x5] =	stream.indirect_vreg.gather [hbm4b:s1+s3], $0x80, v2, vm0, $0xb8;
	[tilespmem:$0x1C800] =	vst v63  }
0x141: {  	s23 =	simm.s32 $0x11000  }
0x142: {  	[tilespmem:s23], [sflag:$0x5] =	stream.indirect_vreg.gather [hbm4b:s4+s3], $0x80, v2, vm0, $0xb8;
	[tilespmem:$0x1C800] =	vst v63  }
0x143: {  	s29 =	simm.s32 $0x11800  }
0x144: {  	[tilespmem:s29], [sflag:$0x5] =	stream.indirect_vreg.gather [hbm4b:s5+s3], $0x80, v2, vm0, $0xb8;
	[tilespmem:$0x1C800] =	vst v63  }
0x145: {  	s31 =	simm.s32 $0x12000  }
0x146: {  	[tilespmem:s31], [sflag:$0x5] =	stream.indirect_vreg.gather [hbm4b:s6+s3], $0x80, v2, vm0, $0xb8;
	[tilespmem:$0x1C800] =	vst v63  }
0x147: {  	s23 =	simm.s32 $0x12800  }
0x148: {  	[tilespmem:s23], [sflag:$0x5] =	stream.indirect_vreg.gather [hbm4b:s7+s3], $0x80, v2, vm0, $0xb8;
	[tilespmem:$0x1C800] =	vst v63  }
0x149: {  	s29 =	simm.s32 $0x13000  }
0x14a: {  	[tilespmem:s29], [sflag:$0x5] =	stream.indirect_vreg.gather [hbm4b:s8+s3], $0x80, v2, vm0, $0xb8;
	[tilespmem:$0x1C800] =	vst v63  }
0x14b: {  	s31 =	simm.s32 $0x13800  }
0x14c: {  	[tilespmem:s31], [sflag:$0x5] =	stream.indirect_vreg.gather [hbm4b:s9+s3], $0x80, v2, vm0, $0xb8;
	[tilespmem:$0x1C800] =	vst v63  }
0x14d: {  	s23 =	simm.s32 $0x14000  }
0x14e: {  	[tilespmem:s23], [sflag:$0x5] =	stream.indirect_vreg.gather [hbm4b:s10+s3], $0x80, v2, vm0, $0xb8;
	[tilespmem:$0x1C800] =	vst v63  }
0x14f: {  	_ =	swait.ge [sflag:s21], $0x4000  }
0x150: {  	[sflag:s21] =	ssyncset.done $0x0  }
0x151: {  	s17 =	simm.s32 $0x800;
	s29 =	rddreg [dreg:$0xc];
	[sflag:s21] =	ssyncadd.s32 $0xFFFFC000  }
0x152: {  	[hbm4b:s29+s12] =	stream.strided.scatter [tilespmem:s17], [sflag:$0x8], $0x4000, s14, s12, $0x38;
	[tilespmem:$0x1C800] =	vst v63  }
0x153: {  	s29 =	simm.s32 $0xD  }
0x154: {  	_ =	swait.ge [sflag:s29], $0x4000  }
0x155: {  	[sflag:s29] =	ssyncset.done $0x0  }
0x156: {  	[sflag:s29] =	ssyncadd.s32 $0xFFFFC000  }
0x157: {  	v2 =	vld.msk [tilespmem:$0x600], $0xf;
	_ =	sdelay $0x4  }
0x158: {  	v3 =	vshll.u32 v2, $0x5  }
0x159: {  	v2 =	vand.u32 $0x7, v2;
	v3 =	vand.u32 $0xFFFFFF00, v3  }
0x15a: {  	v2 =	vor.u32 v2, v3  }
0x15b: {  	v2 =	vperm.xlane v2, v0;
	_ =	sdelay $0x1  }
0x15c: {  	v2 =	vadd.s32 v1, v2;
	_ =	sdelay $0x4  }
0x15d: {  	[tilespmem:s15], [sflag:$0x6] =	stream.indirect_vreg.gather [hbm4b:s1+s3], $0x80, v2, vm0, $0xb8;
	[tilespmem:$0x1C800] =	vst v63  }
0x15e: {  	s31 =	simm.s32 $0x15000  }
0x15f: {  	[tilespmem:s31], [sflag:$0x6] =	stream.indirect_vreg.gather [hbm4b:s4+s3], $0x80, v2, vm0, $0xb8;
	[tilespmem:$0x1C800] =	vst v63  }
0x160: {  	s31 =	simm.s32 $0x15800  }
0x161: {  	[tilespmem:s31], [sflag:$0x6] =	stream.indirect_vreg.gather [hbm4b:s5+s3], $0x80, v2, vm0, $0xb8;
	[tilespmem:$0x1C800] =	vst v63  }
0x162: {  	s31 =	simm.s32 $0x16000  }
0x163: {  	[tilespmem:s31], [sflag:$0x6] =	stream.indirect_vreg.gather [hbm4b:s6+s3], $0x80, v2, vm0, $0xb8;
	[tilespmem:$0x1C800] =	vst v63  }
0x164: {  	s31 =	simm.s32 $0x16800  }
0x165: {  	[tilespmem:s31], [sflag:$0x6] =	stream.indirect_vreg.gather [hbm4b:s7+s3], $0x80, v2, vm0, $0xb8;
	[tilespmem:$0x1C800] =	vst v63  }
0x166: {  	s31 =	simm.s32 $0x17000  }
0x167: {  	[tilespmem:s31], [sflag:$0x6] =	stream.indirect_vreg.gather [hbm4b:s8+s3], $0x80, v2, vm0, $0xb8;
	[tilespmem:$0x1C800] =	vst v63  }
0x168: {  	s31 =	simm.s32 $0x17800  }
0x169: {  	[tilespmem:s31], [sflag:$0x6] =	stream.indirect_vreg.gather [hbm4b:s9+s3], $0x80, v2, vm0, $0xb8;
	[tilespmem:$0x1C800] =	vst v63  }
0x16a: {  	s31 =	simm.s32 $0x18000  }
0x16b: {  	[tilespmem:s31], [sflag:$0x6] =	stream.indirect_vreg.gather [hbm4b:s10+s3], $0x80, v2, vm0, $0xb8;
	[tilespmem:$0x1C800] =	vst v63  }
0x16c: {  	_ =	swait.ge [sflag:s16], $0x4000  }
0x16d: {  	[sflag:s16] =	ssyncset.done $0x0  }
0x16e: {  	s23 =	rddreg [dreg:$0xd];
	[sflag:s16] =	ssyncadd.s32 $0xFFFFC000  }
0x16f: {  	[hbm4b:s23+s12] =	stream.strided.scatter [tilespmem:s18], [sflag:$0x9], $0x4000, s14, s12, $0x38;
	[tilespmem:$0x1C800] =	vst v63  }
0x170: {  	s23 =	simm.s32 $0xE  }
0x171: {  	_ =	swait.ge [sflag:s23], $0x4000  }
0x172: {  	[sflag:s23] =	ssyncset.done $0x0  }
0x173: {  	[sflag:s23] =	ssyncadd.s32 $0xFFFFC000  }
0x174: {  	v2 =	vld.msk [tilespmem:$0x680], $0xf;
	_ =	sdelay $0x4  }
0x175: {  	v3 =	vshll.u32 v2, $0x5  }
0x176: {  	v2 =	vand.u32 $0x7, v2;
	v3 =	vand.u32 $0xFFFFFF00, v3  }
0x177: {  	v2 =	vor.u32 v2, v3  }
0x178: {  	v2 =	vperm.xlane v2, v0;
	_ =	sdelay $0x1  }
0x179: {  	v2 =	vadd.s32 v1, v2;
	_ =	sdelay $0x4  }
0x17a: {  	[tilespmem:s13], [sflag:$0x7] =	stream.indirect_vreg.gather [hbm4b:s1+s3], $0x80, v2, vm0, $0xb8;
	[tilespmem:$0x1C800] =	vst v63  }
0x17b: {  	s31 =	simm.s32 $0x19000  }
0x17c: {  	[tilespmem:s31], [sflag:$0x7] =	stream.indirect_vreg.gather [hbm4b:s4+s3], $0x80, v2, vm0, $0xb8;
	[tilespmem:$0x1C800] =	vst v63  }
0x17d: {  	s31 =	simm.s32 $0x19800  }
0x17e: {  	[tilespmem:s31], [sflag:$0x7] =	stream.indirect_vreg.gather [hbm4b:s5+s3], $0x80, v2, vm0, $0xb8;
	[tilespmem:$0x1C800] =	vst v63  }
0x17f: {  	s31 =	simm.s32 $0x1A000  }
0x180: {  	[tilespmem:s31], [sflag:$0x7] =	stream.indirect_vreg.gather [hbm4b:s6+s3], $0x80, v2, vm0, $0xb8;
	[tilespmem:$0x1C800] =	vst v63  }
0x181: {  	s31 =	simm.s32 $0x1A800  }
0x182: {  	[tilespmem:s31], [sflag:$0x7] =	stream.indirect_vreg.gather [hbm4b:s7+s3], $0x80, v2, vm0, $0xb8;
	[tilespmem:$0x1C800] =	vst v63  }
0x183: {  	s31 =	simm.s32 $0x1B000  }
0x184: {  	[tilespmem:s31], [sflag:$0x7] =	stream.indirect_vreg.gather [hbm4b:s8+s3], $0x80, v2, vm0, $0xb8;
	[tilespmem:$0x1C800] =	vst v63  }
0x185: {  	s31 =	simm.s32 $0x1B800  }
0x186: {  	[tilespmem:s31], [sflag:$0x7] =	stream.indirect_vreg.gather [hbm4b:s9+s3], $0x80, v2, vm0, $0xb8;
	[tilespmem:$0x1C800] =	vst v63  }
0x187: {  	s31 =	simm.s32 $0x1C000  }
0x188: {  	[tilespmem:s31], [sflag:$0x7] =	stream.indirect_vreg.gather [hbm4b:s10+s3], $0x80, v2, vm0, $0xb8;
	[tilespmem:$0x1C800] =	vst v63  }
0x189: {  	_ =	swait.ge [sflag:s0], $0x4000  }
0x18a: {  	[sflag:s0] =	ssyncset.done $0x0  }
0x18b: {  	s31 =	rddreg [dreg:$0xe];
	[sflag:s0] =	ssyncadd.s32 $0xFFFFC000;
	s0 =	simm.s32 $0x8800  }
0x18c: {  	[hbm4b:s31+s12] =	stream.strided.scatter [tilespmem:s0], [sflag:$0xA], $0x4000, s14, s12, $0x38;
	[tilespmem:$0x1C800] =	vst v63  }
0x18d: {  	_ =	swait.ge [sflag:s19], $0x4000  }
0x18e: {  	[sflag:s19] =	ssyncset.done $0x0  }
0x18f: {  	[sflag:s19] =	ssyncadd.s32 $0xFFFFC000  }
0x190: {  	v2 =	vld.msk [tilespmem:$0x700], $0xf;
	_ =	sdelay $0x4  }
0x191: {  	v3 =	vshll.u32 v2, $0x5  }
0x192: {  	v2 =	vand.u32 $0x7, v2;
	v3 =	vand.u32 $0xFFFFFF00, v3  }
0x193: {  	v2 =	vor.u32 v2, v3  }
0x194: {  	v2 =	vperm.xlane v2, v0;
	_ =	sdelay $0x1  }
0x195: {  	v2 =	vadd.s32 v1, v2;
	_ =	sdelay $0x4  }
0x196: {  	[tilespmem:s17], [sflag:$0x1] =	stream.indirect_vreg.gather [hbm4b:s1+s3], $0x80, v2, vm0, $0xb8;
	[tilespmem:$0x1C800] =	vst v63  }
0x197: {  	s31 =	simm.s32 $0x1000  }
0x198: {  	[tilespmem:s31], [sflag:$0x1] =	stream.indirect_vreg.gather [hbm4b:s4+s3], $0x80, v2, vm0, $0xb8;
	[tilespmem:$0x1C800] =	vst v63  }
0x199: {  	s31 =	simm.s32 $0x1800  }
0x19a: {  	[tilespmem:s31], [sflag:$0x1] =	stream.indirect_vreg.gather [hbm4b:s5+s3], $0x80, v2, vm0, $0xb8;
	[tilespmem:$0x1C800] =	vst v63  }
0x19b: {  	s31 =	simm.s32 $0x2000  }
0x19c: {  	[tilespmem:s31], [sflag:$0x1] =	stream.indirect_vreg.gather [hbm4b:s6+s3], $0x80, v2, vm0, $0xb8;
	[tilespmem:$0x1C800] =	vst v63  }
0x19d: {  	s31 =	simm.s32 $0x2800  }
0x19e: {  	[tilespmem:s31], [sflag:$0x1] =	stream.indirect_vreg.gather [hbm4b:s7+s3], $0x80, v2, vm0, $0xb8;
	[tilespmem:$0x1C800] =	vst v63  }
0x19f: {  	s31 =	simm.s32 $0x3000  }
0x1a0: {  	[tilespmem:s31], [sflag:$0x1] =	stream.indirect_vreg.gather [hbm4b:s8+s3], $0x80, v2, vm0, $0xb8;
	[tilespmem:$0x1C800] =	vst v63  }
0x1a1: {  	s31 =	simm.s32 $0x3800  }
0x1a2: {  	[tilespmem:s31], [sflag:$0x1] =	stream.indirect_vreg.gather [hbm4b:s9+s3], $0x80, v2, vm0, $0xb8;
	[tilespmem:$0x1C800] =	vst v63  }
0x1a3: {  	s31 =	simm.s32 $0x4000  }
0x1a4: {  	[tilespmem:s31], [sflag:$0x1] =	stream.indirect_vreg.gather [hbm4b:s10+s3], $0x80, v2, vm0, $0xb8;
	[tilespmem:$0x1C800] =	vst v63  }
0x1a5: {  	_ =	swait.ge [sflag:s2], $0x4000  }
0x1a6: {  	[sflag:s2] =	ssyncset.done $0x0  }
0x1a7: {  	s17 =	simm.s32 $0xC800;
	s31 =	rddreg [dreg:$0xf];
	[sflag:s2] =	ssyncadd.s32 $0xFFFFC000  }
0x1a8: {  	[hbm4b:s31+s12] =	stream.strided.scatter [tilespmem:s17], [sflag:$0xB], $0x4000, s14, s12, $0x38;
	[tilespmem:$0x1C800] =	vst v63  }
0x1a9: {  	_ =	swait.ge [sflag:s22], $0x4000  }
0x1aa: {  	[sflag:s22] =	ssyncset.done $0x0  }
0x1ab: {  	[sflag:s22] =	ssyncadd.s32 $0xFFFFC000  }
0x1ac: {  	v2 =	vld.msk [tilespmem:$0x780], $0xf;
	_ =	sdelay $0x4  }
0x1ad: {  	v3 =	vshll.u32 v2, $0x5  }
0x1ae: {  	v2 =	vand.u32 $0x7, v2;
	v3 =	vand.u32 $0xFFFFFF00, v3  }
0x1af: {  	v2 =	vor.u32 v2, v3  }
0x1b0: {  	v2 =	vperm.xlane v2, v0;
	_ =	sdelay $0x1  }
0x1b1: {  	v2 =	vadd.s32 v1, v2;
	_ =	sdelay $0x4  }
0x1b2: {  	[tilespmem:s18], [sflag:$0x2] =	stream.indirect_vreg.gather [hbm4b:s1+s3], $0x80, v2, vm0, $0xb8;
	[tilespmem:$0x1C800] =	vst v63  }
0x1b3: {  	s31 =	simm.s32 $0x5000  }
0x1b4: {  	[tilespmem:s31], [sflag:$0x2] =	stream.indirect_vreg.gather [hbm4b:s4+s3], $0x80, v2, vm0, $0xb8;
	[tilespmem:$0x1C800] =	vst v63  }
0x1b5: {  	s17 =	simm.s32 $0x5800  }
0x1b6: {  	[tilespmem:s17], [sflag:$0x2] =	stream.indirect_vreg.gather [hbm4b:s5+s3], $0x80, v2, vm0, $0xb8;
	[tilespmem:$0x1C800] =	vst v63  }
0x1b7: {  	s31 =	simm.s32 $0x6000  }
0x1b8: {  	[tilespmem:s31], [sflag:$0x2] =	stream.indirect_vreg.gather [hbm4b:s6+s3], $0x80, v2, vm0, $0xb8;
	[tilespmem:$0x1C800] =	vst v63  }
0x1b9: {  	s17 =	simm.s32 $0x6800  }
0x1ba: {  	[tilespmem:s17], [sflag:$0x2] =	stream.indirect_vreg.gather [hbm4b:s7+s3], $0x80, v2, vm0, $0xb8;
	[tilespmem:$0x1C800] =	vst v63  }
0x1bb: {  	s31 =	simm.s32 $0x7000  }
0x1bc: {  	[tilespmem:s31], [sflag:$0x2] =	stream.indirect_vreg.gather [hbm4b:s8+s3], $0x80, v2, vm0, $0xb8;
	[tilespmem:$0x1C800] =	vst v63  }
0x1bd: {  	s17 =	simm.s32 $0x7800  }
0x1be: {  	[tilespmem:s17], [sflag:$0x2] =	stream.indirect_vreg.gather [hbm4b:s9+s3], $0x80, v2, vm0, $0xb8;
	[tilespmem:$0x1C800] =	vst v63  }
0x1bf: {  	s31 =	simm.s32 $0x8000  }
0x1c0: {  	[tilespmem:s31], [sflag:$0x2] =	stream.indirect_vreg.gather [hbm4b:s10+s3], $0x80, v2, vm0, $0xb8;
	[tilespmem:$0x1C800] =	vst v63  }
0x1c1: {  	_ =	swait.ge [sflag:s30], $0x4000  }
0x1c2: {  	[sflag:s30] =	ssyncset.done $0x0  }
0x1c3: {  	s17 =	rddreg [dreg:$0x10];
	[sflag:s30] =	ssyncadd.s32 $0xFFFFC000;
	s30 =	simm.s32 $0x10800  }
0x1c4: {  	[hbm4b:s17+s12] =	stream.strided.scatter [tilespmem:s30], [sflag:$0xC], $0x4000, s14, s12, $0x38;
	[tilespmem:$0x1C800] =	vst v63  }
0x1c5: {  	_ =	swait.ge [sflag:s24], $0x4000  }
0x1c6: {  	[sflag:s24] =	ssyncset.done $0x0  }
0x1c7: {  	s15 =	simm.s32 $0x14800;
	s17 =	rddreg [dreg:$0x11];
	[sflag:s24] =	ssyncadd.s32 $0xFFFFC000  }
0x1c8: {  	[hbm4b:s17+s12] =	stream.strided.scatter [tilespmem:s15], [sflag:$0xD], $0x4000, s14, s12, $0x38;
	[tilespmem:$0x1C800] =	vst v63  }
0x1c9: {  	_ =	swait.ge [sflag:s26], $0x4000  }
0x1ca: {  	[sflag:s26] =	ssyncset.done $0x0  }
0x1cb: {  	s24 =	rddreg [dreg:$0x12];
	[sflag:s26] =	ssyncadd.s32 $0xFFFFC000  }
0x1cc: {  	[hbm4b:s24+s12] =	stream.strided.scatter [tilespmem:s13], [sflag:$0xE], $0x4000, s14, s12, $0x38;
	[tilespmem:$0x1C800] =	vst v63  }
0x1cd: {  	_ =	swait.ge [sflag:s21], $0x4000  }
0x1ce: {  	[sflag:s21] =	ssyncset.done $0x0  }
0x1cf: {  	s0 =	simm.s32 $0x800;
	s26 =	rddreg [dreg:$0x13];
	[sflag:s21] =	ssyncadd.s32 $0xFFFFC000  }
0x1d0: {  	[hbm4b:s26+s12] =	stream.strided.scatter [tilespmem:s0], [sflag:$0x8], $0x4000, s14, s12, $0x38;
	[tilespmem:$0x1C800] =	vst v63  }
0x1d1: {  	_ =	swait.ge [sflag:s16], $0x4000  }
0x1d2: {  	[sflag:s16] =	ssyncset.done $0x0  }
0x1d3: {  	s30 =	rddreg [dreg:$0x14];
	[sflag:s16] =	ssyncadd.s32 $0xFFFFC000  }
0x1d4: {  	[hbm4b:s30+s12] =	stream.strided.scatter [tilespmem:s18], [sflag:$0x9], $0x4000, s14, s12, $0x38;
	[tilespmem:$0x1C800] =	vst v63  }
0x1d5: {  	_ =	swait.ge [sflag:s20], $0x4000  }
0x1d6: {  	[sflag:s20] =	ssyncset.done $0x0  }
0x1d7: {  	[sflag:s20] =	ssyncadd.s32 $0xFFFFC000  }
0x1d8: {  	_ =	swait.ge [sflag:s25], $0x4000  }
0x1d9: {  	[sflag:s25] =	ssyncset.done $0x0  }
0x1da: {  	[sflag:s25] =	ssyncadd.s32 $0xFFFFC000  }
0x1db: {  	_ =	swait.ge [sflag:s28], $0x4000  }
0x1dc: {  	[sflag:s28] =	ssyncset.done $0x0  }
0x1dd: {  	[sflag:s28] =	ssyncadd.s32 $0xFFFFC000  }
0x1de: {  	_ =	swait.ge [sflag:s29], $0x4000  }
0x1df: {  	[sflag:s29] =	ssyncset.done $0x0  }
0x1e0: {  	[sflag:s29] =	ssyncadd.s32 $0xFFFFC000  }
0x1e1: {  	_ =	swait.ge [sflag:s23], $0x4000  }
0x1e2: {  	[sflag:s23] =	ssyncset.done $0x0  }
0x1e3: {  	[sflag:s23] =	ssyncadd.s32 $0xFFFFC000  }
0x1e4: {  	p0 =	sne.s32 s11, $0x1;
	_ =	swait.ge [sflag:s19], $0x4000  }
.Ltmp0:
0x1e5: {  	[sflag:s19] =	ssyncset.done $0x0;
	(pc) =	sbr.rel @p0 .LBB2_1-.Ltmp0, $4  }
0x1e6: {  	[sflag:s19] =	ssyncadd.s32 $0xFFFFC000  }
0x1e7: {  	_ =	swait.ge [sflag:s22], $0x4000  }
0x1e8: {  	[sflag:s22] =	ssyncset.done $0x0  }
0x1e9: {  	s11 =	sadd.s32 $0xFFFFFFFF, s11;
	[sflag:s22] =	ssyncadd.s32 $0xFFFFC000  }
0x1ea: {  	_ =	sfence.sel $0x180000  }
0x1eb: {  	[bflag:$0x0] =	sbarrier.arrive $0xFFFF  }
0x1ec: {  	_ =	strace $0x90000047  }
0x1ed: {  	s0 =	stileid.u32;
	[bflag:$0x2] =	sbarrier.arrive $0xFFFF  }
0x1ee: {  	p0 =	sne.s32 s0, $0x0;
	s0 =	rddreg [dreg:$0x3]  }
0x1ef: {  	s0 =	sadd.s32 @!p0 $0x100000, s0  }
0x1f0: {  	[sflag:s0] =	ssyncadd.tile.s32 @!p0 $0x1;
	_ =	shalt  }
.Lfunc_end2:
_tile_overlayer_lowered:
.L_overlay_start_2:
0x1f1: {  	(tag) =	ssettag $0x2  }
0x1f2: {  	s0 =	rddreg [dreg:$0x0];
	s2 =	stileid.u32  }
0x1f3: {  	s1 =	rddreg [dreg:$0x1];
	p0 =	sne.s32 s2, $0x0  }
0x1f4: {  	s3 =	rddreg [dreg:$0x2];
	[bflag:$0x3] =	sbarrier.arrive $0xFFFF;
	s2 =	simm.s32 @!p0 $0x1C0F  }
0x1f5: {  	[timem:s3], [sflag:s2] =	dma.local @!p0 [hbm:s0], s1  }
0x1f6: {  	s0 =	simm.s32 @!p0 $0xF  }
0x1f7: {  	_ =	swait.ge @!p0 [sflag:s0], s1  }
0x1f8: {  	s1 =	ssub.s32 @!p0 $0x0, s1;
	[sflag:s0] =	ssyncset.done @!p0 $0x0  }
0x1f9: {  	[sflag:s0] =	ssyncadd.s32 @!p0 s1  }
0x1fa: {  	[bflag:$0x3] =	sbarrier.arrive $0xFFFF  }
0x1fb: {  	_ =	shalt  }

</sc_bundles>
